<compile_context>
chip_gen: v7x
topology: tpu7x:2x2x1
jax: 0.10.2.dev20260603
libtpu: 0.0.44.dev20260713+nightly
codegen_flags: <defaults>
</compile_context>

<pallas_src>
import functools

import jax
import jax.numpy as jnp
import numpy as np
from jax import lax
from jax.experimental import pallas as pl
from jax.experimental.pallas import tpu as pltpu
from jax.experimental.pallas import tpu_sc as plsc

DIM = 17
D2 = DIM * DIM
D3 = DIM * DIM * DIM
NLUT = 2 * D3
B = 16
W = 512
PIX = W * W
CHUNK = 4096
ROWS_PER_CHUNK = CHUNK // W
NWORKERS = 32
CHUNKS_PER_BATCH = PIX // CHUNK
TOTAL_CHUNKS = B * CHUNKS_PER_BATCH
CHUNKS_PER_WORKER = TOTAL_CHUNKS // NWORKERS

_RSCALE = np.float32((DIM - 1) / 1.000001)
_URSCALE = np.float32(1.0 / 1.000001)


def _compute_chunk(lutR, lutG, lutB, xin, yout):

    def row_body(rr, carry2):
        @plsc.parallel_loop(0, W // 16, unroll=1)
        def px(j):
            s = pl.ds(j * 16, 16)
            u = xin[0, rr, s]
            r = xin[1, rr, s]
            g = xin[2, rr, s]
            bl = xin[3, rr, s]
            rf = r * _RSCALE
            gf = g * _RSCALE
            bf = bl * _RSCALE
            ri = rf.astype(jnp.int32)
            gi = gf.astype(jnp.int32)
            bi = bf.astype(jnp.int32)
            dr = rf - ri.astype(jnp.float32)
            dg = gf - gi.astype(jnp.float32)
            db = bf - bi.astype(jnp.float32)
            du = u * _URSCALE
            base = ri * D2 + gi * DIM + bi
            w_k = (1.0 - db, db)
            w_j = (1.0 - dg, dg)
            w_i = (1.0 - dr, dr)
            acc = [[None] * 3, [None] * 3]
            for di in (0, 1):
                for dj in (0, 1):
                    wij = w_i[di] * w_j[dj]
                    for dk in (0, 1):
                        wijk = wij * w_k[dk]
                        idx0 = base + (di * D2 + dj * DIM + dk)
                        idx1 = idx0 + D3
                        for p, idx in ((0, idx0), (1, idx1)):
                            for c, lut in enumerate((lutR, lutG, lutB)):
                                v = wijk * plsc.load_gather(lut, [idx])
                                a = acc[p][c]
                                acc[p][c] = v if a is None else a + v
            omu = 1.0 - du
            yout[0, rr, s] = omu * acc[0][0] + du * acc[1][0]
            yout[1, rr, s] = omu * acc[0][1] + du * acc[1][1]
            yout[2, rr, s] = omu * acc[0][2] + du * acc[1][2]
        return carry2

    lax.fori_loop(0, ROWS_PER_CHUNK, row_body, 0)


def _lut_body(x_h, lr_h, lg_h, lb_h, out_h,
              lutR, lutG, lutB, xin, yout, si, so):
    cid = lax.axis_index("c")
    sid = lax.axis_index("s")
    wid = sid * 2 + cid
    t_base = wid * CHUNKS_PER_WORKER

    def src_in(t):
        b = t // CHUNKS_PER_BATCH
        row0 = (t % CHUNKS_PER_BATCH) * ROWS_PER_CHUNK
        return x_h.at[b, :, pl.ds(row0, ROWS_PER_CHUNK), :]

    def dst_out(t):
        b = t // CHUNKS_PER_BATCH
        row0 = (t % CHUNKS_PER_BATCH) * ROWS_PER_CHUNK
        return out_h.at[b, :, pl.ds(row0, ROWS_PER_CHUNK), :]

    pltpu.async_copy(src_in(t_base), xin.at[0], si.at[0])

    pltpu.async_copy(lr_h, lutR, so.at[0])
    pltpu.async_copy(lg_h, lutG, so.at[0])
    pltpu.async_copy(lb_h, lutB, so.at[0])
    pltpu.make_async_copy(lr_h, lutR, so.at[0]).wait()
    pltpu.make_async_copy(lg_h, lutG, so.at[0]).wait()
    pltpu.make_async_copy(lb_h, lutB, so.at[0]).wait()

    def body(tl, carry):
        t = t_base + tl
        par = tl & 1
        npar = 1 - par
        tnext = t_base + jnp.minimum(tl + 1, CHUNKS_PER_WORKER - 1)
        pltpu.async_copy(src_in(tnext), xin.at[npar], si.at[npar])
        pltpu.make_async_copy(src_in(t), xin.at[par], si.at[par]).wait()

        @pl.when(tl > 1)
        def _():
            pltpu.make_async_copy(yout.at[par], dst_out(t), so.at[par]).wait()

        _compute_chunk(lutR, lutG, lutB, xin.at[par], yout.at[par])
        pltpu.async_copy(yout.at[par], dst_out(t), so.at[par])
        return carry

    lax.fori_loop(0, CHUNKS_PER_WORKER, body, 0)
    pltpu.make_async_copy(src_in(t_base), xin.at[0], si.at[0]).wait()
    pltpu.make_async_copy(yout.at[0], dst_out(t_base), so.at[0]).wait()
    pltpu.make_async_copy(yout.at[1], dst_out(t_base), so.at[1]).wait()


_mesh = plsc.VectorSubcoreMesh(core_axis_name="c", subcore_axis_name="s")

_lut_apply = functools.partial(
    pl.kernel,
    out_type=jax.ShapeDtypeStruct((B, 3, W, W), jnp.float32),
    mesh=_mesh,
    scratch_types=[
        pltpu.VMEM((NLUT,), jnp.float32),
        pltpu.VMEM((NLUT,), jnp.float32),
        pltpu.VMEM((NLUT,), jnp.float32),
        pltpu.VMEM((2, 4, ROWS_PER_CHUNK, W), jnp.float32),
        pltpu.VMEM((2, 3, ROWS_PER_CHUNK, W), jnp.float32),
        pltpu.SemaphoreType.DMA((2,)),
        pltpu.SemaphoreType.DMA((2,)),
    ],
    compiler_params=pltpu.CompilerParams(needs_layout_passes=False),
)(_lut_body)


@jax.jit
def kernel(x, LUT_en):
    lutf = LUT_en.reshape(3, NLUT)
    return _lut_apply(x, lutf[0], lutf[1], lutf[2])

# --- scband reference (transcript-rebuilt; emitter-appended) ---
"""Pipeline reference for scband-generator4-dlut-identity-37306085933294 (READ-ONLY COPY).

The authoritative reference and input builder live on the scoring server;
editing this copy changes nothing except your own understanding.
"""

import jax, jax.numpy as jnp
import numpy as np

DIM = 17


def _make_identity_lut(dim):
    # Mirrors the Identity4DLUT17.txt contents: identity mapping replicated over
    # both context bins p in {0,1}. buffer[c, p, i, j, k]: c=0 -> r grid value i,
    # c=1 -> g grid value j, c=2 -> b grid value k.
    g = np.linspace(0.0, 1.0, dim, dtype=np.float32)
    buf = np.zeros((3, 2, dim, dim, dim), dtype=np.float32)
    buf[0, :, :, :, :] = g[None, :, None, None]
    buf[1, :, :, :, :] = g[None, None, :, None]
    buf[2, :, :, :, :] = g[None, None, None, :]
    return jnp.asarray(buf)


def setup_inputs(seed: int = 0) -> dict:
    key = jax.random.key(seed)
    # x: [B, 4, W, H] with channel 0 = context map, channels 1..3 = RGB, all in [0,1)
    x = jax.random.uniform(key, (16, 4, 512, 512), dtype=jnp.float32)
    LUT_en = _make_identity_lut(DIM)
    return {"x": x, "LUT_en": LUT_en}


def _quadrilinear4d(lut, x):
    # lut: [3, 2, dim, dim, dim]; x: [B, 4, W, H] -> out: [B, 3, W, H]
    dim = lut.shape[-1]
    binsize = 1.000001 / (dim - 1)
    u = x[:, 0]
    r = x[:, 1]
    g = x[:, 2]
    b = x[:, 3]
    # fractional grid coordinates
    r_f = r / binsize
    g_f = g / binsize
    b_f = b / binsize
    u_f = u / 1.000001  # context axis has 2 bins -> binsize 1.000001
    r_id = jnp.clip(jnp.floor(r_f).astype(jnp.int32), 0, dim - 2)
    g_id = jnp.clip(jnp.floor(g_f).astype(jnp.int32), 0, dim - 2)
    b_id = jnp.clip(jnp.floor(b_f).astype(jnp.int32), 0, dim - 2)
    u_id = jnp.clip(jnp.floor(u_f).astype(jnp.int32), 0, 0)
    dr = r_f - r_id.astype(jnp.float32)
    dg = g_f - g_id.astype(jnp.float32)
    db = b_f - b_id.astype(jnp.float32)
    du = u_f - u_id.astype(jnp.float32)
    lut_flat = lut.reshape(3, -1)  # [3, 2*dim^3]
    d3 = dim * dim * dim
    d2 = dim * dim
    out = jnp.zeros((3,) + r.shape, dtype=lut.dtype)
    for dp in (0, 1):
        wu = du if dp else (1.0 - du)
        for di in (0, 1):
            wr = dr if di else (1.0 - dr)
            for dj in (0, 1):
                wg = dg if dj else (1.0 - dg)
                for dk in (0, 1):
                    wb = db if dk else (1.0 - db)
                    idx = ((u_id + dp) * d3 + (r_id + di) * d2
                           + (g_id + dj) * dim + (b_id + dk))
                    vals = jnp.take(lut_flat, idx, axis=1)  # [3, B, W, H]
                    w = (wu * wr * wg * wb)[None, ...]
                    out = out + vals * w
    return jnp.transpose(out, (1, 0, 2, 3))  # [B, 3, W, H]


def reference(x, LUT_en):
    return _quadrilinear4d(LUT_en, x)

if __name__ == "__main__":
    import jax
    _d = setup_inputs()
    print(jax.jit(kernel)(*tuple(_d.values())))

</pallas_src>

<mosaic_0001>
#map = affine_map<(d0, d1) -> (0, 0, 0, 0)>
#map1 = affine_map<(d0, d1) -> (0)>
module attributes {stable_mosaic.version = 14 : i64} {
  func.func @_lut_body(%arg0: i32, %arg1: i32, %arg2: memref<16x4x512x512xf32, #tpu.memory_space<hbm>>, %arg3: memref<9826xf32, #tpu.memory_space<hbm>>, %arg4: memref<9826xf32, #tpu.memory_space<hbm>>, %arg5: memref<9826xf32, #tpu.memory_space<hbm>>, %arg6: memref<16x3x512x512xf32, #tpu.memory_space<hbm>>, %arg7: memref<9826xf32, #tpu.memory_space<vmem>>, %arg8: memref<9826xf32, #tpu.memory_space<vmem>>, %arg9: memref<9826xf32, #tpu.memory_space<vmem>>, %arg10: memref<2x4x8x512xf32, #tpu.memory_space<vmem>>, %arg11: memref<2x3x8x512xf32, #tpu.memory_space<vmem>>, %arg12: memref<2x!tpu.dma_semaphore, #tpu.memory_space<semaphore_mem>>, %arg13: memref<2x!tpu.dma_semaphore, #tpu.memory_space<semaphore_mem>>) attributes {dimension_semantics = [#tpu.dimension_semantics<core_parallel>, #tpu.dimension_semantics<subcore_parallel>], iteration_bounds = array<i64: 2, 16>, scalar_prefetch = 0 : i64, scratch_operands = 7 : i64, tpu.core_type = #tpu.core_type<sc_vector_subcore>, window_params = [{transform_indices = #map}, {transform_indices = #map1}, {transform_indices = #map1}, {transform_indices = #map1}, {transform_indices = #map}]} {
    %mul3A = arith.constant 2 : i32
    %mul3A_0 = arith.muli %arg1, %mul3A : i32
    %add3A = arith.addi %mul3A_0, %arg0 : i32
    %mul3A_1 = arith.constant 32 : i32
    %mul3A_2 = arith.muli %add3A, %mul3A_1 : i32
    %jit3A = arith.constant 64 : i32
    %div3A = arith.divsi %mul3A_2, %jit3A : i32
    %sign3A = arith.constant 0 : i32
    %sign3A_3 = arith.cmpi sgt, %mul3A_2, %sign3A : i32
    %sign3A_4 = arith.extui %sign3A_3 : i1 to i32
    %sign3A_5 = arith.constant 0 : i32
    %sign3A_6 = arith.cmpi slt, %mul3A_2, %sign3A_5 : i32
    %sign3A_7 = arith.extui %sign3A_6 : i1 to i32
    %sign3A_8 = arith.subi %sign3A_4, %sign3A_7 : i32
    %sign3A_9 = arith.constant 0 : i32
    %sign3A_10 = arith.cmpi sgt, %jit3A, %sign3A_9 : i32
    %sign3A_11 = arith.extui %sign3A_10 : i1 to i32
    %sign3A_12 = arith.constant 0 : i32
    %sign3A_13 = arith.cmpi slt, %jit3A, %sign3A_12 : i32
    %sign3A_14 = arith.extui %sign3A_13 : i1 to i32
    %sign3A_15 = arith.subi %sign3A_11, %sign3A_14 : i32
    %ne3A = arith.cmpi ne, %sign3A_8, %sign3A_15 : i32
    %rem3A = arith.remsi %mul3A_2, %jit3A : i32
    %ne3A_16 = arith.constant 0 : i32
    %ne3A_17 = arith.cmpi ne, %rem3A, %ne3A_16 : i32
    %and3A = arith.andi %ne3A, %ne3A_17 : i1
    %sub3A = arith.constant 1 : i32
    %sub3A_18 = arith.subi %div3A, %sub3A : i32
    %select_n3A = arith.select %and3A, %sub3A_18, %div3A : i32
    %jit3A_19 = arith.constant 64 : i32
    %eq3A = arith.constant 0 : i32
    %eq3A_20 = arith.cmpi eq, %jit3A_19, %eq3A : i32
    %jit3A_21 = arith.constant 1 : i32
    %select_n3A_22 = arith.select %eq3A_20, %jit3A_21, %jit3A_19 : i32
    %rem3A_23 = arith.remsi %mul3A_2, %select_n3A_22 : i32
    %ne3A_24 = arith.constant 0 : i32
    %ne3A_25 = arith.cmpi ne, %rem3A_23, %ne3A_24 : i32
    %lt3A = arith.constant 0 : i32
    %lt3A_26 = arith.cmpi slt, %rem3A_23, %lt3A : i32
    %lt3A_27 = arith.constant 0 : i32
    %lt3A_28 = arith.cmpi slt, %select_n3A_22, %lt3A_27 : i32
    %ne3A_29 = arith.xori %lt3A_26, %lt3A_28 : i1
    %and3A_30 = arith.andi %ne3A_29, %ne3A_25 : i1
    %add3A_31 = arith.addi %rem3A_23, %select_n3A_22 : i32
    %select_n3A_32 = arith.select %and3A_30, %add3A_31, %rem3A_23 : i32
    %mul3A_33 = arith.constant 8 : i32
    %mul3A_34 = arith.muli %select_n3A_32, %mul3A_33 : i32
    %dma_start3A = arith.constant 0 : i32
    %dma_start3A_35 = arith.constant 0 : i32
    %dma_start3A_36 = arith.constant 0 : i32
    %dma_start3A_37 = arith.constant 0 : i32
    %dma_start3A_38 = arith.constant 0 : i32
    %dma_start3A_39 = tpu.memref_slice %arg10[%dma_start3A, %dma_start3A_36, %dma_start3A_37, %dma_start3A_38] : memref<2x4x8x512xf32, #tpu.memory_space<vmem>> -> memref<1x4x8x512xf32, #tpu.memory_space<vmem>>
    %dma_start3A_40 = tpu.memref_squeeze %dma_start3A_39 : memref<1x4x8x512xf32, #tpu.memory_space<vmem>> -> memref<4x8x512xf32, #tpu.memory_space<vmem>>
    %dma_start3A_41 = arith.constant 0 : i32
    %dma_start3A_42 = arith.constant 0 : i32
    %dma_start3A_43 = tpu.memref_slice %arg2[%select_n3A, %dma_start3A_41, %mul3A_34, %dma_start3A_42] : memref<16x4x512x512xf32, #tpu.memory_space<hbm>> -> memref<1x4x8x512xf32, #tpu.memory_space<hbm>>
    %dma_start3A_44 = tpu.memref_squeeze %dma_start3A_43 : memref<1x4x8x512xf32, #tpu.memory_space<hbm>> -> memref<4x8x512xf32, #tpu.memory_space<hbm>>
    %dma_start3A_45 = tpu.memref_slice %arg12[%dma_start3A_35] : memref<2x!tpu.dma_semaphore, #tpu.memory_space<semaphore_mem>> -> memref<1x!tpu.dma_semaphore, #tpu.memory_space<semaphore_mem>>
    %dma_start3A_46 = tpu.memref_squeeze %dma_start3A_45 : memref<1x!tpu.dma_semaphore, #tpu.memory_space<semaphore_mem>> -> memref<!tpu.dma_semaphore, #tpu.memory_space<semaphore_mem>>
    %dma_start3A_47 = arith.constant 0 : i32
    %dma_start3A_48 = arith.constant 0 : i32
    %dma_start3A_49 = arith.constant 0 : i32
    %dma_start3A_50 = tpu.memref_slice %arg10[%dma_start3A, %dma_start3A_47, %dma_start3A_48, %dma_start3A_49] : memref<2x4x8x512xf32, #tpu.memory_space<vmem>> -> memref<1x4x8x512xf32, #tpu.memory_space<vmem>>
    %dma_start3A_51 = tpu.memref_squeeze %dma_start3A_50 : memref<1x4x8x512xf32, #tpu.memory_space<vmem>> -> memref<4x8x512xf32, #tpu.memory_space<vmem>>
    %dma_start3A_52 = arith.constant 0 : i32
    %dma_start3A_53 = arith.constant 0 : i32
    %dma_start3A_54 = tpu.memref_slice %arg2[%select_n3A, %dma_start3A_52, %mul3A_34, %dma_start3A_53] : memref<16x4x512x512xf32, #tpu.memory_space<hbm>> -> memref<1x4x8x512xf32, #tpu.memory_space<hbm>>
    %dma_start3A_55 = tpu.memref_squeeze %dma_start3A_54 : memref<1x4x8x512xf32, #tpu.memory_space<hbm>> -> memref<4x8x512xf32, #tpu.memory_space<hbm>>
    tpu.enqueue_dma source(%dma_start3A_55 : memref<4x8x512xf32, #tpu.memory_space<hbm>>) target(%dma_start3A_51 : memref<4x8x512xf32, #tpu.memory_space<vmem>>) target_semaphore(%dma_start3A_46 : memref<!tpu.dma_semaphore, #tpu.memory_space<semaphore_mem>>)
    %dma_start3A_56 = arith.constant 0 : i32
    %dma_start3A_57 = tpu.memref_slice %arg13[%dma_start3A_56] : memref<2x!tpu.dma_semaphore, #tpu.memory_space<semaphore_mem>> -> memref<1x!tpu.dma_semaphore, #tpu.memory_space<semaphore_mem>>
    %dma_start3A_58 = tpu.memref_squeeze %dma_start3A_57 : memref<1x!tpu.dma_semaphore, #tpu.memory_space<semaphore_mem>> -> memref<!tpu.dma_semaphore, #tpu.memory_space<semaphore_mem>>
    tpu.enqueue_dma source(%arg3 : memref<9826xf32, #tpu.memory_space<hbm>>) target(%arg7 : memref<9826xf32, #tpu.memory_space<vmem>>) target_semaphore(%dma_start3A_58 : memref<!tpu.dma_semaphore, #tpu.memory_space<semaphore_mem>>)
    %dma_start3A_59 = arith.constant 0 : i32
    %dma_start3A_60 = tpu.memref_slice %arg13[%dma_start3A_59] : memref<2x!tpu.dma_semaphore, #tpu.memory_space<semaphore_mem>> -> memref<1x!tpu.dma_semaphore, #tpu.memory_space<semaphore_mem>>
    %dma_start3A_61 = tpu.memref_squeeze %dma_start3A_60 : memref<1x!tpu.dma_semaphore, #tpu.memory_space<semaphore_mem>> -> memref<!tpu.dma_semaphore, #tpu.memory_space<semaphore_mem>>
    tpu.enqueue_dma source(%arg4 : memref<9826xf32, #tpu.memory_space<hbm>>) target(%arg8 : memref<9826xf32, #tpu.memory_space<vmem>>) target_semaphore(%dma_start3A_61 : memref<!tpu.dma_semaphore, #tpu.memory_space<semaphore_mem>>)
    %dma_start3A_62 = arith.constant 0 : i32
    %dma_start3A_63 = tpu.memref_slice %arg13[%dma_start3A_62] : memref<2x!tpu.dma_semaphore, #tpu.memory_space<semaphore_mem>> -> memref<1x!tpu.dma_semaphore, #tpu.memory_space<semaphore_mem>>
    %dma_start3A_64 = tpu.memref_squeeze %dma_start3A_63 : memref<1x!tpu.dma_semaphore, #tpu.memory_space<semaphore_mem>> -> memref<!tpu.dma_semaphore, #tpu.memory_space<semaphore_mem>>
    tpu.enqueue_dma source(%arg5 : memref<9826xf32, #tpu.memory_space<hbm>>) target(%arg9 : memref<9826xf32, #tpu.memory_space<vmem>>) target_semaphore(%dma_start3A_64 : memref<!tpu.dma_semaphore, #tpu.memory_space<semaphore_mem>>)
    %dma_wait3A = arith.constant 0 : i32
    %dma_wait3A_65 = tpu.memref_slice %arg13[%dma_wait3A] : memref<2x!tpu.dma_semaphore, #tpu.memory_space<semaphore_mem>> -> memref<1x!tpu.dma_semaphore, #tpu.memory_space<semaphore_mem>>
    %dma_wait3A_66 = tpu.memref_squeeze %dma_wait3A_65 : memref<1x!tpu.dma_semaphore, #tpu.memory_space<semaphore_mem>> -> memref<!tpu.dma_semaphore, #tpu.memory_space<semaphore_mem>>
    tpu.wait_dma2 semaphore(%dma_wait3A_66 : memref<!tpu.dma_semaphore, #tpu.memory_space<semaphore_mem>>) src(%arg3 : memref<9826xf32, #tpu.memory_space<hbm>>) dst(%arg7 : memref<9826xf32, #tpu.memory_space<vmem>>)
    %dma_wait3A_67 = arith.constant 0 : i32
    %dma_wait3A_68 = tpu.memref_slice %arg13[%dma_wait3A_67] : memref<2x!tpu.dma_semaphore, #tpu.memory_space<semaphore_mem>> -> memref<1x!tpu.dma_semaphore, #tpu.memory_space<semaphore_mem>>
    %dma_wait3A_69 = tpu.memref_squeeze %dma_wait3A_68 : memref<1x!tpu.dma_semaphore, #tpu.memory_space<semaphore_mem>> -> memref<!tpu.dma_semaphore, #tpu.memory_space<semaphore_mem>>
    tpu.wait_dma2 semaphore(%dma_wait3A_69 : memref<!tpu.dma_semaphore, #tpu.memory_space<semaphore_mem>>) src(%arg4 : memref<9826xf32, #tpu.memory_space<hbm>>) dst(%arg8 : memref<9826xf32, #tpu.memory_space<vmem>>)
    %dma_wait3A_70 = arith.constant 0 : i32
    %dma_wait3A_71 = tpu.memref_slice %arg13[%dma_wait3A_70] : memref<2x!tpu.dma_semaphore, #tpu.memory_space<semaphore_mem>> -> memref<1x!tpu.dma_semaphore, #tpu.memory_space<semaphore_mem>>
    %dma_wait3A_72 = tpu.memref_squeeze %dma_wait3A_71 : memref<1x!tpu.dma_semaphore, #tpu.memory_space<semaphore_mem>> -> memref<!tpu.dma_semaphore, #tpu.memory_space<semaphore_mem>>
    tpu.wait_dma2 semaphore(%dma_wait3A_72 : memref<!tpu.dma_semaphore, #tpu.memory_space<semaphore_mem>>) src(%arg5 : memref<9826xf32, #tpu.memory_space<hbm>>) dst(%arg9 : memref<9826xf32, #tpu.memory_space<vmem>>)
    %scan3A = arith.constant 0 : i32
    %scan3A_73 = arith.constant 0 : i32
    %scan3A_74 = arith.constant 32 : i32
    %scan3A_75 = arith.addi %scan3A_73, %scan3A_74 : i32
    %scan3A_76 = arith.constant 1 : i32
    scf.for %scan3A_270 = %scan3A_73 to %scan3A_75 step %scan3A_76  : i32 {
      %add3A_271 = arith.addi %mul3A_2, %scan3A_270 : i32
      %and3A_272 = arith.constant 1 : i32
      %and3A_273 = arith.andi %scan3A_270, %and3A_272 : i32
      %sub3A_274 = arith.constant 1 : i32
      %sub3A_275 = arith.subi %sub3A_274, %and3A_273 : i32
      %add3A_276 = arith.constant 1 : i32
      %add3A_277 = arith.addi %scan3A_270, %add3A_276 : i32
      %min3A = arith.constant 31 : i32
      %min3A_278 = arith.minsi %add3A_277, %min3A : i32
      %add3A_279 = arith.addi %mul3A_2, %min3A_278 : i32
      %jit3A_280 = arith.constant 64 : i32
      %div3A_281 = arith.divsi %add3A_279, %jit3A_280 : i32
      %sign3A_282 = arith.constant 0 : i32
      %sign3A_283 = arith.cmpi sgt, %add3A_279, %sign3A_282 : i32
      %sign3A_284 = arith.extui %sign3A_283 : i1 to i32
      %sign3A_285 = arith.constant 0 : i32
      %sign3A_286 = arith.cmpi slt, %add3A_279, %sign3A_285 : i32
      %sign3A_287 = arith.extui %sign3A_286 : i1 to i32
      %sign3A_288 = arith.subi %sign3A_284, %sign3A_287 : i32
      %sign3A_289 = arith.constant 0 : i32
      %sign3A_290 = arith.cmpi sgt, %jit3A_280, %sign3A_289 : i32
      %sign3A_291 = arith.extui %sign3A_290 : i1 to i32
      %sign3A_292 = arith.constant 0 : i32
      %sign3A_293 = arith.cmpi slt, %jit3A_280, %sign3A_292 : i32
      %sign3A_294 = arith.extui %sign3A_293 : i1 to i32
      %sign3A_295 = arith.subi %sign3A_291, %sign3A_294 : i32
      %ne3A_296 = arith.cmpi ne, %sign3A_288, %sign3A_295 : i32
      %rem3A_297 = arith.remsi %add3A_279, %jit3A_280 : i32
      %ne3A_298 = arith.constant 0 : i32
      %ne3A_299 = arith.cmpi ne, %rem3A_297, %ne3A_298 : i32
      %and3A_300 = arith.andi %ne3A_296, %ne3A_299 : i1
      %sub3A_301 = arith.constant 1 : i32
      %sub3A_302 = arith.subi %div3A_281, %sub3A_301 : i32
      %select_n3A_303 = arith.select %and3A_300, %sub3A_302, %div3A_281 : i32
      %jit3A_304 = arith.constant 64 : i32
      %eq3A_305 = arith.constant 0 : i32
      %eq3A_306 = arith.cmpi eq, %jit3A_304, %eq3A_305 : i32
      %jit3A_307 = arith.constant 1 : i32
      %select_n3A_308 = arith.select %eq3A_306, %jit3A_307, %jit3A_304 : i32
      %rem3A_309 = arith.remsi %add3A_279, %select_n3A_308 : i32
      %ne3A_310 = arith.constant 0 : i32
      %ne3A_311 = arith.cmpi ne, %rem3A_309, %ne3A_310 : i32
      %lt3A_312 = arith.constant 0 : i32
      %lt3A_313 = arith.cmpi slt, %rem3A_309, %lt3A_312 : i32
      %lt3A_314 = arith.constant 0 : i32
      %lt3A_315 = arith.cmpi slt, %select_n3A_308, %lt3A_314 : i32
      %ne3A_316 = arith.xori %lt3A_313, %lt3A_315 : i1
      %and3A_317 = arith.andi %ne3A_316, %ne3A_311 : i1
      %add3A_318 = arith.addi %rem3A_309, %select_n3A_308 : i32
      %select_n3A_319 = arith.select %and3A_317, %add3A_318, %rem3A_309 : i32
      %mul3A_320 = arith.constant 8 : i32
      %mul3A_321 = arith.muli %select_n3A_319, %mul3A_320 : i32
      %dma_start3A_322 = arith.constant 0 : i32
      %dma_start3A_323 = arith.constant 0 : i32
      %dma_start3A_324 = arith.constant 0 : i32
      %dma_start3A_325 = tpu.memref_slice %arg10[%sub3A_275, %dma_start3A_322, %dma_start3A_323, %dma_start3A_324] : memref<2x4x8x512xf32, #tpu.memory_space<vmem>> -> memref<1x4x8x512xf32, #tpu.memory_space<vmem>>
      %dma_start3A_326 = tpu.memref_squeeze %dma_start3A_325 : memref<1x4x8x512xf32, #tpu.memory_space<vmem>> -> memref<4x8x512xf32, #tpu.memory_space<vmem>>
      %dma_start3A_327 = arith.constant 0 : i32
      %dma_start3A_328 = arith.constant 0 : i32
      %dma_start3A_329 = tpu.memref_slice %arg2[%select_n3A_303, %dma_start3A_327, %mul3A_321, %dma_start3A_328] : memref<16x4x512x512xf32, #tpu.memory_space<hbm>> -> memref<1x4x8x512xf32, #tpu.memory_space<hbm>>
      %dma_start3A_330 = tpu.memref_squeeze %dma_start3A_329 : memref<1x4x8x512xf32, #tpu.memory_space<hbm>> -> memref<4x8x512xf32, #tpu.memory_space<hbm>>
      %dma_start3A_331 = tpu.memref_slice %arg12[%sub3A_275] : memref<2x!tpu.dma_semaphore, #tpu.memory_space<semaphore_mem>> -> memref<1x!tpu.dma_semaphore, #tpu.memory_space<semaphore_mem>>
      %dma_start3A_332 = tpu.memref_squeeze %dma_start3A_331 : memref<1x!tpu.dma_semaphore, #tpu.memory_space<semaphore_mem>> -> memref<!tpu.dma_semaphore, #tpu.memory_space<semaphore_mem>>
      %dma_start3A_333 = arith.constant 0 : i32
      %dma_start3A_334 = arith.constant 0 : i32
      %dma_start3A_335 = arith.constant 0 : i32
      %dma_start3A_336 = tpu.memref_slice %arg10[%sub3A_275, %dma_start3A_333, %dma_start3A_334, %dma_start3A_335] : memref<2x4x8x512xf32, #tpu.memory_space<vmem>> -> memref<1x4x8x512xf32, #tpu.memory_space<vmem>>
      %dma_start3A_337 = tpu.memref_squeeze %dma_start3A_336 : memref<1x4x8x512xf32, #tpu.memory_space<vmem>> -> memref<4x8x512xf32, #tpu.memory_space<vmem>>
      %dma_start3A_338 = arith.constant 0 : i32
      %dma_start3A_339 = arith.constant 0 : i32
      %dma_start3A_340 = tpu.memref_slice %arg2[%select_n3A_303, %dma_start3A_338, %mul3A_321, %dma_start3A_339] : memref<16x4x512x512xf32, #tpu.memory_space<hbm>> -> memref<1x4x8x512xf32, #tpu.memory_space<hbm>>
      %dma_start3A_341 = tpu.memref_squeeze %dma_start3A_340 : memref<1x4x8x512xf32, #tpu.memory_space<hbm>> -> memref<4x8x512xf32, #tpu.memory_space<hbm>>
      tpu.enqueue_dma source(%dma_start3A_341 : memref<4x8x512xf32, #tpu.memory_space<hbm>>) target(%dma_start3A_337 : memref<4x8x512xf32, #tpu.memory_space<vmem>>) target_semaphore(%dma_start3A_332 : memref<!tpu.dma_semaphore, #tpu.memory_space<semaphore_mem>>)
      %jit3A_342 = arith.constant 64 : i32
      %div3A_343 = arith.divsi %add3A_271, %jit3A_342 : i32
      %sign3A_344 = arith.constant 0 : i32
      %sign3A_345 = arith.cmpi sgt, %add3A_271, %sign3A_344 : i32
      %sign3A_346 = arith.extui %sign3A_345 : i1 to i32
      %sign3A_347 = arith.constant 0 : i32
      %sign3A_348 = arith.cmpi slt, %add3A_271, %sign3A_347 : i32
      %sign3A_349 = arith.extui %sign3A_348 : i1 to i32
      %sign3A_350 = arith.subi %sign3A_346, %sign3A_349 : i32
      %sign3A_351 = arith.constant 0 : i32
      %sign3A_352 = arith.cmpi sgt, %jit3A_342, %sign3A_351 : i32
      %sign3A_353 = arith.extui %sign3A_352 : i1 to i32
      %sign3A_354 = arith.constant 0 : i32
      %sign3A_355 = arith.cmpi slt, %jit3A_342, %sign3A_354 : i32
      %sign3A_356 = arith.extui %sign3A_355 : i1 to i32
      %sign3A_357 = arith.subi %sign3A_353, %sign3A_356 : i32
      %ne3A_358 = arith.cmpi ne, %sign3A_350, %sign3A_357 : i32
      %rem3A_359 = arith.remsi %add3A_271, %jit3A_342 : i32
      %ne3A_360 = arith.constant 0 : i32
      %ne3A_361 = arith.cmpi ne, %rem3A_359, %ne3A_360 : i32
      %and3A_362 = arith.andi %ne3A_358, %ne3A_361 : i1
      %sub3A_363 = arith.constant 1 : i32
      %sub3A_364 = arith.subi %div3A_343, %sub3A_363 : i32
      %select_n3A_365 = arith.select %and3A_362, %sub3A_364, %div3A_343 : i32
      %jit3A_366 = arith.constant 64 : i32
      %eq3A_367 = arith.constant 0 : i32
      %eq3A_368 = arith.cmpi eq, %jit3A_366, %eq3A_367 : i32
      %jit3A_369 = arith.constant 1 : i32
      %select_n3A_370 = arith.select %eq3A_368, %jit3A_369, %jit3A_366 : i32
      %rem3A_371 = arith.remsi %add3A_271, %select_n3A_370 : i32
      %ne3A_372 = arith.constant 0 : i32
      %ne3A_373 = arith.cmpi ne, %rem3A_371, %ne3A_372 : i32
      %lt3A_374 = arith.constant 0 : i32
      %lt3A_375 = arith.cmpi slt, %rem3A_371, %lt3A_374 : i32
      %lt3A_376 = arith.constant 0 : i32
      %lt3A_377 = arith.cmpi slt, %select_n3A_370, %lt3A_376 : i32
      %ne3A_378 = arith.xori %lt3A_375, %lt3A_377 : i1
      %and3A_379 = arith.andi %ne3A_378, %ne3A_373 : i1
      %add3A_380 = arith.addi %rem3A_371, %select_n3A_370 : i32
      %select_n3A_381 = arith.select %and3A_379, %add3A_380, %rem3A_371 : i32
      %mul3A_382 = arith.constant 8 : i32
      %mul3A_383 = arith.muli %select_n3A_381, %mul3A_382 : i32
      %dma_wait3A_384 = arith.constant 0 : i32
      %dma_wait3A_385 = arith.constant 0 : i32
      %dma_wait3A_386 = arith.constant 0 : i32
      %dma_wait3A_387 = tpu.memref_slice %arg10[%and3A_273, %dma_wait3A_384, %dma_wait3A_385, %dma_wait3A_386] : memref<2x4x8x512xf32, #tpu.memory_space<vmem>> -> memref<1x4x8x512xf32, #tpu.memory_space<vmem>>
      %dma_wait3A_388 = tpu.memref_squeeze %dma_wait3A_387 : memref<1x4x8x512xf32, #tpu.memory_space<vmem>> -> memref<4x8x512xf32, #tpu.memory_space<vmem>>
      %dma_wait3A_389 = arith.constant 0 : i32
      %dma_wait3A_390 = arith.constant 0 : i32
      %dma_wait3A_391 = tpu.memref_slice %arg2[%select_n3A_365, %dma_wait3A_389, %mul3A_383, %dma_wait3A_390] : memref<16x4x512x512xf32, #tpu.memory_space<hbm>> -> memref<1x4x8x512xf32, #tpu.memory_space<hbm>>
      %dma_wait3A_392 = tpu.memref_squeeze %dma_wait3A_391 : memref<1x4x8x512xf32, #tpu.memory_space<hbm>> -> memref<4x8x512xf32, #tpu.memory_space<hbm>>
      %dma_wait3A_393 = tpu.memref_slice %arg12[%and3A_273] : memref<2x!tpu.dma_semaphore, #tpu.memory_space<semaphore_mem>> -> memref<1x!tpu.dma_semaphore, #tpu.memory_space<semaphore_mem>>
      %dma_wait3A_394 = tpu.memref_squeeze %dma_wait3A_393 : memref<1x!tpu.dma_semaphore, #tpu.memory_space<semaphore_mem>> -> memref<!tpu.dma_semaphore, #tpu.memory_space<semaphore_mem>>
      %dma_wait3A_395 = arith.constant 0 : i32
      %dma_wait3A_396 = arith.constant 0 : i32
      %dma_wait3A_397 = arith.constant 0 : i32
      %dma_wait3A_398 = tpu.memref_slice %arg10[%and3A_273, %dma_wait3A_395, %dma_wait3A_396, %dma_wait3A_397] : memref<2x4x8x512xf32, #tpu.memory_space<vmem>> -> memref<1x4x8x512xf32, #tpu.memory_space<vmem>>
      %dma_wait3A_399 = tpu.memref_squeeze %dma_wait3A_398 : memref<1x4x8x512xf32, #tpu.memory_space<vmem>> -> memref<4x8x512xf32, #tpu.memory_space<vmem>>
      %dma_wait3A_400 = arith.constant 0 : i32
      %dma_wait3A_401 = arith.constant 0 : i32
      %dma_wait3A_402 = tpu.memref_slice %arg2[%select_n3A_365, %dma_wait3A_400, %mul3A_383, %dma_wait3A_401] : memref<16x4x512x512xf32, #tpu.memory_space<hbm>> -> memref<1x4x8x512xf32, #tpu.memory_space<hbm>>
      %dma_wait3A_403 = tpu.memref_squeeze %dma_wait3A_402 : memref<1x4x8x512xf32, #tpu.memory_space<hbm>> -> memref<4x8x512xf32, #tpu.memory_space<hbm>>
      tpu.wait_dma2 semaphore(%dma_wait3A_394 : memref<!tpu.dma_semaphore, #tpu.memory_space<semaphore_mem>>) src(%dma_wait3A_403 : memref<4x8x512xf32, #tpu.memory_space<hbm>>) dst(%dma_wait3A_399 : memref<4x8x512xf32, #tpu.memory_space<vmem>>)
      %gt3A = arith.constant 1 : i32
      %gt3A_404 = arith.cmpi sgt, %scan3A_270, %gt3A : i32
      %convert_element_type3A = arith.extui %gt3A_404 : i1 to i32
      %cond3A = arith.constant 0 : i32
      %cond3A_405 = arith.cmpi ne, %convert_element_type3A, %cond3A : i32
      scf.if %cond3A_405 {
        %jit3A_474 = arith.constant 64 : i32
        %div3A_475 = arith.divsi %add3A_271, %jit3A_474 : i32
        %sign3A_476 = arith.constant 0 : i32
        %sign3A_477 = arith.cmpi sgt, %add3A_271, %sign3A_476 : i32
        %sign3A_478 = arith.extui %sign3A_477 : i1 to i32
        %sign3A_479 = arith.constant 0 : i32
        %sign3A_480 = arith.cmpi slt, %add3A_271, %sign3A_479 : i32
        %sign3A_481 = arith.extui %sign3A_480 : i1 to i32
        %sign3A_482 = arith.subi %sign3A_478, %sign3A_481 : i32
        %sign3A_483 = arith.constant 0 : i32
        %sign3A_484 = arith.cmpi sgt, %jit3A_474, %sign3A_483 : i32
        %sign3A_485 = arith.extui %sign3A_484 : i1 to i32
        %sign3A_486 = arith.constant 0 : i32
        %sign3A_487 = arith.cmpi slt, %jit3A_474, %sign3A_486 : i32
        %sign3A_488 = arith.extui %sign3A_487 : i1 to i32
        %sign3A_489 = arith.subi %sign3A_485, %sign3A_488 : i32
        %ne3A_490 = arith.cmpi ne, %sign3A_482, %sign3A_489 : i32
        %rem3A_491 = arith.remsi %add3A_271, %jit3A_474 : i32
        %ne3A_492 = arith.constant 0 : i32
        %ne3A_493 = arith.cmpi ne, %rem3A_491, %ne3A_492 : i32
        %and3A_494 = arith.andi %ne3A_490, %ne3A_493 : i1
        %sub3A_495 = arith.constant 1 : i32
        %sub3A_496 = arith.subi %div3A_475, %sub3A_495 : i32
        %select_n3A_497 = arith.select %and3A_494, %sub3A_496, %div3A_475 : i32
        %jit3A_498 = arith.constant 64 : i32
        %eq3A_499 = arith.constant 0 : i32
        %eq3A_500 = arith.cmpi eq, %jit3A_498, %eq3A_499 : i32
        %jit3A_501 = arith.constant 1 : i32
        %select_n3A_502 = arith.select %eq3A_500, %jit3A_501, %jit3A_498 : i32
        %rem3A_503 = arith.remsi %add3A_271, %select_n3A_502 : i32
        %ne3A_504 = arith.constant 0 : i32
        %ne3A_505 = arith.cmpi ne, %rem3A_503, %ne3A_504 : i32
        %lt3A_506 = arith.constant 0 : i32
        %lt3A_507 = arith.cmpi slt, %rem3A_503, %lt3A_506 : i32
        %lt3A_508 = arith.constant 0 : i32
        %lt3A_509 = arith.cmpi slt, %select_n3A_502, %lt3A_508 : i32
        %ne3A_510 = arith.xori %lt3A_507, %lt3A_509 : i1
        %and3A_511 = arith.andi %ne3A_510, %ne3A_505 : i1
        %add3A_512 = arith.addi %rem3A_503, %select_n3A_502 : i32
        %select_n3A_513 = arith.select %and3A_511, %add3A_512, %rem3A_503 : i32
        %mul3A_514 = arith.constant 8 : i32
        %mul3A_515 = arith.muli %select_n3A_513, %mul3A_514 : i32
        %dma_wait3A_516 = arith.constant 0 : i32
        %dma_wait3A_517 = arith.constant 0 : i32
        %dma_wait3A_518 = arith.constant 0 : i32
        %dma_wait3A_519 = tpu.memref_slice %arg11[%and3A_273, %dma_wait3A_516, %dma_wait3A_517, %dma_wait3A_518] : memref<2x3x8x512xf32, #tpu.memory_space<vmem>> -> memref<1x3x8x512xf32, #tpu.memory_space<vmem>>
        %dma_wait3A_520 = tpu.memref_squeeze %dma_wait3A_519 : memref<1x3x8x512xf32, #tpu.memory_space<vmem>> -> memref<3x8x512xf32, #tpu.memory_space<vmem>>
        %dma_wait3A_521 = arith.constant 0 : i32
        %dma_wait3A_522 = arith.constant 0 : i32
        %dma_wait3A_523 = tpu.memref_slice %arg6[%select_n3A_497, %dma_wait3A_521, %mul3A_515, %dma_wait3A_522] : memref<16x3x512x512xf32, #tpu.memory_space<hbm>> -> memref<1x3x8x512xf32, #tpu.memory_space<hbm>>
        %dma_wait3A_524 = tpu.memref_squeeze %dma_wait3A_523 : memref<1x3x8x512xf32, #tpu.memory_space<hbm>> -> memref<3x8x512xf32, #tpu.memory_space<hbm>>
        %dma_wait3A_525 = tpu.memref_slice %arg13[%and3A_273] : memref<2x!tpu.dma_semaphore, #tpu.memory_space<semaphore_mem>> -> memref<1x!tpu.dma_semaphore, #tpu.memory_space<semaphore_mem>>
        %dma_wait3A_526 = tpu.memref_squeeze %dma_wait3A_525 : memref<1x!tpu.dma_semaphore, #tpu.memory_space<semaphore_mem>> -> memref<!tpu.dma_semaphore, #tpu.memory_space<semaphore_mem>>
        %dma_wait3A_527 = arith.constant 0 : i32
        %dma_wait3A_528 = arith.constant 0 : i32
        %dma_wait3A_529 = tpu.memref_slice %arg6[%select_n3A_497, %dma_wait3A_527, %mul3A_515, %dma_wait3A_528] : memref<16x3x512x512xf32, #tpu.memory_space<hbm>> -> memref<1x3x8x512xf32, #tpu.memory_space<hbm>>
        %dma_wait3A_530 = tpu.memref_squeeze %dma_wait3A_529 : memref<1x3x8x512xf32, #tpu.memory_space<hbm>> -> memref<3x8x512xf32, #tpu.memory_space<hbm>>
        %dma_wait3A_531 = arith.constant 0 : i32
        %dma_wait3A_532 = arith.constant 0 : i32
        %dma_wait3A_533 = arith.constant 0 : i32
        %dma_wait3A_534 = tpu.memref_slice %arg11[%and3A_273, %dma_wait3A_531, %dma_wait3A_532, %dma_wait3A_533] : memref<2x3x8x512xf32, #tpu.memory_space<vmem>> -> memref<1x3x8x512xf32, #tpu.memory_space<vmem>>
        %dma_wait3A_535 = tpu.memref_squeeze %dma_wait3A_534 : memref<1x3x8x512xf32, #tpu.memory_space<vmem>> -> memref<3x8x512xf32, #tpu.memory_space<vmem>>
        tpu.wait_dma2 semaphore(%dma_wait3A_526 : memref<!tpu.dma_semaphore, #tpu.memory_space<semaphore_mem>>) src(%dma_wait3A_535 : memref<3x8x512xf32, #tpu.memory_space<vmem>>) dst(%dma_wait3A_530 : memref<3x8x512xf32, #tpu.memory_space<hbm>>)
      } else {
      }
      %scan3A_406 = arith.constant 0 : i32
      %scan3A_407 = arith.constant 0 : i32
      %scan3A_408 = arith.constant 8 : i32
      %scan3A_409 = arith.addi %scan3A_407, %scan3A_408 : i32
      %scan3A_410 = arith.constant 1 : i32
      scf.for %scan3A_474 = %scan3A_407 to %scan3A_409 step %scan3A_410  : i32 {
        %parallel_loop3A = arith.constant 0 : i32
        %parallel_loop3A_475 = arith.constant 32 : i32
        %parallel_loop3A_476 = arith.constant 1 : i32
        scf.for %parallel_loop3A_477 = %parallel_loop3A to %parallel_loop3A_475 step %parallel_loop3A_476  : i32 {
          %parallel_loop3A_478 = arith.constant 16 : i32
          %parallel_loop3A_479 = arith.muli %parallel_loop3A_477, %parallel_loop3A_478 : i32
          %parallel_loop3A_480 = arith.constant 0 : i32
          %parallel_loop3A_481 = arith.constant 0 : i32
          %parallel_loop3A_482 = arith.constant 0 : i32
          %parallel_loop3A_483 = arith.constant 0 : i32
          %parallel_loop3A_484 = tpu.memref_slice %arg10[%and3A_273, %parallel_loop3A_481, %parallel_loop3A_482, %parallel_loop3A_483] : memref<2x4x8x512xf32, #tpu.memory_space<vmem>> -> memref<1x4x8x512xf32, #tpu.memory_space<vmem>>
          %parallel_loop3A_485 = tpu.memref_squeeze %parallel_loop3A_484 : memref<1x4x8x512xf32, #tpu.memory_space<vmem>> -> memref<4x8x512xf32, #tpu.memory_space<vmem>>
          %parallel_loop3A_486 = arith.index_cast %parallel_loop3A_480 : i32 to index
          %parallel_loop3A_487 = arith.index_cast %scan3A_474 : i32 to index
          %parallel_loop3A_488 = arith.index_cast %parallel_loop3A_479 : i32 to index
          %parallel_loop3A_489 = tpu.vector_load %parallel_loop3A_485[%parallel_loop3A_486, %parallel_loop3A_487, %parallel_loop3A_488] {strides = array<i32>} : memref<4x8x512xf32, #tpu.memory_space<vmem>>, vector<16xf32>,
          %parallel_loop3A_490 = arith.constant 1 : i32
          %parallel_loop3A_491 = arith.constant 0 : i32
          %parallel_loop3A_492 = arith.constant 0 : i32
          %parallel_loop3A_493 = arith.constant 0 : i32
          %parallel_loop3A_494 = tpu.memref_slice %arg10[%and3A_273, %parallel_loop3A_491, %parallel_loop3A_492, %parallel_loop3A_493] : memref<2x4x8x512xf32, #tpu.memory_space<vmem>> -> memref<1x4x8x512xf32, #tpu.memory_space<vmem>>
          %parallel_loop3A_495 = tpu.memref_squeeze %parallel_loop3A_494 : memref<1x4x8x512xf32, #tpu.memory_space<vmem>> -> memref<4x8x512xf32, #tpu.memory_space<vmem>>
          %parallel_loop3A_496 = arith.index_cast %parallel_loop3A_490 : i32 to index
          %parallel_loop3A_497 = arith.index_cast %scan3A_474 : i32 to index
          %parallel_loop3A_498 = arith.index_cast %parallel_loop3A_479 : i32 to index
          %parallel_loop3A_499 = tpu.vector_load %parallel_loop3A_495[%parallel_loop3A_496, %parallel_loop3A_497, %parallel_loop3A_498] {strides = array<i32>} : memref<4x8x512xf32, #tpu.memory_space<vmem>>, vector<16xf32>,
          %parallel_loop3A_500 = arith.constant 2 : i32
          %parallel_loop3A_501 = arith.constant 0 : i32
          %parallel_loop3A_502 = arith.constant 0 : i32
          %parallel_loop3A_503 = arith.constant 0 : i32
          %parallel_loop3A_504 = tpu.memref_slice %arg10[%and3A_273, %parallel_loop3A_501, %parallel_loop3A_502, %parallel_loop3A_503] : memref<2x4x8x512xf32, #tpu.memory_space<vmem>> -> memref<1x4x8x512xf32, #tpu.memory_space<vmem>>
          %parallel_loop3A_505 = tpu.memref_squeeze %parallel_loop3A_504 : memref<1x4x8x512xf32, #tpu.memory_space<vmem>> -> memref<4x8x512xf32, #tpu.memory_space<vmem>>
          %parallel_loop3A_506 = arith.index_cast %parallel_loop3A_500 : i32 to index
          %parallel_loop3A_507 = arith.index_cast %scan3A_474 : i32 to index
          %parallel_loop3A_508 = arith.index_cast %parallel_loop3A_479 : i32 to index
          %parallel_loop3A_509 = tpu.vector_load %parallel_loop3A_505[%parallel_loop3A_506, %parallel_loop3A_507, %parallel_loop3A_508] {strides = array<i32>} : memref<4x8x512xf32, #tpu.memory_space<vmem>>, vector<16xf32>,
          %parallel_loop3A_510 = arith.constant 3 : i32
          %parallel_loop3A_511 = arith.constant 0 : i32
          %parallel_loop3A_512 = arith.constant 0 : i32
          %parallel_loop3A_513 = arith.constant 0 : i32
          %parallel_loop3A_514 = tpu.memref_slice %arg10[%and3A_273, %parallel_loop3A_511, %parallel_loop3A_512, %parallel_loop3A_513] : memref<2x4x8x512xf32, #tpu.memory_space<vmem>> -> memref<1x4x8x512xf32, #tpu.memory_space<vmem>>
          %parallel_loop3A_515 = tpu.memref_squeeze %parallel_loop3A_514 : memref<1x4x8x512xf32, #tpu.memory_space<vmem>> -> memref<4x8x512xf32, #tpu.memory_space<vmem>>
          %parallel_loop3A_516 = arith.index_cast %parallel_loop3A_510 : i32 to index
          %parallel_loop3A_517 = arith.index_cast %scan3A_474 : i32 to index
          %parallel_loop3A_518 = arith.index_cast %parallel_loop3A_479 : i32 to index
          %parallel_loop3A_519 = tpu.vector_load %parallel_loop3A_515[%parallel_loop3A_516, %parallel_loop3A_517, %parallel_loop3A_518] {strides = array<i32>} : memref<4x8x512xf32, #tpu.memory_space<vmem>>, vector<16xf32>,
          %parallel_loop3A_520 = arith.constant 15.9999838 : f32
          %parallel_loop3A_521 = vector.broadcast %parallel_loop3A_520 : f32 to vector<16xf32>
          %parallel_loop3A_522 = arith.mulf %parallel_loop3A_499, %parallel_loop3A_521 : vector<16xf32>
          %parallel_loop3A_523 = arith.constant 15.9999838 : f32
          %parallel_loop3A_524 = vector.broadcast %parallel_loop3A_523 : f32 to vector<16xf32>
          %parallel_loop3A_525 = arith.mulf %parallel_loop3A_509, %parallel_loop3A_524 : vector<16xf32>
          %parallel_loop3A_526 = arith.constant 15.9999838 : f32
          %parallel_loop3A_527 = vector.broadcast %parallel_loop3A_526 : f32 to vector<16xf32>
          %parallel_loop3A_528 = arith.mulf %parallel_loop3A_519, %parallel_loop3A_527 : vector<16xf32>
          %parallel_loop3A_529 = arith.fptosi %parallel_loop3A_522 : vector<16xf32> to vector<16xi32>
          %parallel_loop3A_530 = arith.fptosi %parallel_loop3A_525 : vector<16xf32> to vector<16xi32>
          %parallel_loop3A_531 = arith.fptosi %parallel_loop3A_528 : vector<16xf32> to vector<16xi32>
          %parallel_loop3A_532 = arith.sitofp %parallel_loop3A_529 : vector<16xi32> to vector<16xf32>
          %parallel_loop3A_533 = arith.subf %parallel_loop3A_522, %parallel_loop3A_532 : vector<16xf32>
          %parallel_loop3A_534 = arith.sitofp %parallel_loop3A_530 : vector<16xi32> to vector<16xf32>
          %parallel_loop3A_535 = arith.subf %parallel_loop3A_525, %parallel_loop3A_534 : vector<16xf32>
          %parallel_loop3A_536 = arith.sitofp %parallel_loop3A_531 : vector<16xi32> to vector<16xf32>
          %parallel_loop3A_537 = arith.subf %parallel_loop3A_528, %parallel_loop3A_536 : vector<16xf32>
          %parallel_loop3A_538 = arith.constant 0.999998986 : f32
          %parallel_loop3A_539 = vector.broadcast %parallel_loop3A_538 : f32 to vector<16xf32>
          %parallel_loop3A_540 = arith.mulf %parallel_loop3A_489, %parallel_loop3A_539 : vector<16xf32>
          %parallel_loop3A_541 = arith.constant 289 : i32
          %parallel_loop3A_542 = vector.broadcast %parallel_loop3A_541 : i32 to vector<16xi32>
          %parallel_loop3A_543 = arith.muli %parallel_loop3A_529, %parallel_loop3A_542 : vector<16xi32>
          %parallel_loop3A_544 = arith.constant 17 : i32
          %parallel_loop3A_545 = vector.broadcast %parallel_loop3A_544 : i32 to vector<16xi32>
          %parallel_loop3A_546 = arith.muli %parallel_loop3A_530, %parallel_loop3A_545 : vector<16xi32>
          %parallel_loop3A_547 = arith.addi %parallel_loop3A_543, %parallel_loop3A_546 : vector<16xi32>
          %parallel_loop3A_548 = arith.addi %parallel_loop3A_547, %parallel_loop3A_531 : vector<16xi32>
          %parallel_loop3A_549 = arith.constant 1.000000e+00 : f32
          %parallel_loop3A_550 = vector.broadcast %parallel_loop3A_549 : f32 to vector<16xf32>
          %parallel_loop3A_551 = arith.subf %parallel_loop3A_550, %parallel_loop3A_537 : vector<16xf32>
          %parallel_loop3A_552 = arith.constant 1.000000e+00 : f32
          %parallel_loop3A_553 = vector.broadcast %parallel_loop3A_552 : f32 to vector<16xf32>
          %parallel_loop3A_554 = arith.subf %parallel_loop3A_553, %parallel_loop3A_535 : vector<16xf32>
          %parallel_loop3A_555 = arith.constant 1.000000e+00 : f32
          %parallel_loop3A_556 = vector.broadcast %parallel_loop3A_555 : f32 to vector<16xf32>
          %parallel_loop3A_557 = arith.subf %parallel_loop3A_556, %parallel_loop3A_533 : vector<16xf32>
          %parallel_loop3A_558 = arith.mulf %parallel_loop3A_557, %parallel_loop3A_554 : vector<16xf32>
          %parallel_loop3A_559 = arith.mulf %parallel_loop3A_558, %parallel_loop3A_551 : vector<16xf32>
          %parallel_loop3A_560 = arith.constant 0 : i32
          %parallel_loop3A_561 = vector.broadcast %parallel_loop3A_560 : i32 to vector<16xi32>
          %parallel_loop3A_562 = arith.addi %parallel_loop3A_548, %parallel_loop3A_561 : vector<16xi32>
          %parallel_loop3A_563 = arith.constant 4913 : i32
          %parallel_loop3A_564 = vector.broadcast %parallel_loop3A_563 : i32 to vector<16xi32>
          %parallel_loop3A_565 = arith.addi %parallel_loop3A_562, %parallel_loop3A_564 : vector<16xi32>
          %parallel_loop3A_566 = tpu.vector_load_idx %arg7[%parallel_loop3A_562] : memref<9826xf32, #tpu.memory_space<vmem>>[vector<16xi32>], vector<16xf32>,
          %parallel_loop3A_567 = arith.mulf %parallel_loop3A_559, %parallel_loop3A_566 : vector<16xf32>
          %parallel_loop3A_568 = tpu.vector_load_idx %arg8[%parallel_loop3A_562] : memref<9826xf32, #tpu.memory_space<vmem>>[vector<16xi32>], vector<16xf32>,
          %parallel_loop3A_569 = arith.mulf %parallel_loop3A_559, %parallel_loop3A_568 : vector<16xf32>
          %parallel_loop3A_570 = tpu.vector_load_idx %arg9[%parallel_loop3A_562] : memref<9826xf32, #tpu.memory_space<vmem>>[vector<16xi32>], vector<16xf32>,
          %parallel_loop3A_571 = arith.mulf %parallel_loop3A_559, %parallel_loop3A_570 : vector<16xf32>
          %parallel_loop3A_572 = tpu.vector_load_idx %arg7[%parallel_loop3A_565] : memref<9826xf32, #tpu.memory_space<vmem>>[vector<16xi32>], vector<16xf32>,
          %parallel_loop3A_573 = arith.mulf %parallel_loop3A_559, %parallel_loop3A_572 : vector<16xf32>
          %parallel_loop3A_574 = tpu.vector_load_idx %arg8[%parallel_loop3A_565] : memref<9826xf32, #tpu.memory_space<vmem>>[vector<16xi32>], vector<16xf32>,
          %parallel_loop3A_575 = arith.mulf %parallel_loop3A_559, %parallel_loop3A_574 : vector<16xf32>
          %parallel_loop3A_576 = tpu.vector_load_idx %arg9[%parallel_loop3A_565] : memref<9826xf32, #tpu.memory_space<vmem>>[vector<16xi32>], vector<16xf32>,
          %parallel_loop3A_577 = arith.mulf %parallel_loop3A_559, %parallel_loop3A_576 : vector<16xf32>
          %parallel_loop3A_578 = arith.mulf %parallel_loop3A_558, %parallel_loop3A_537 : vector<16xf32>
          %parallel_loop3A_579 = arith.constant 1 : i32
          %parallel_loop3A_580 = vector.broadcast %parallel_loop3A_579 : i32 to vector<16xi32>
          %parallel_loop3A_581 = arith.addi %parallel_loop3A_548, %parallel_loop3A_580 : vector<16xi32>
          %parallel_loop3A_582 = arith.constant 4913 : i32
          %parallel_loop3A_583 = vector.broadcast %parallel_loop3A_582 : i32 to vector<16xi32>
          %parallel_loop3A_584 = arith.addi %parallel_loop3A_581, %parallel_loop3A_583 : vector<16xi32>
          %parallel_loop3A_585 = tpu.vector_load_idx %arg7[%parallel_loop3A_581] : memref<9826xf32, #tpu.memory_space<vmem>>[vector<16xi32>], vector<16xf32>,
          %parallel_loop3A_586 = arith.mulf %parallel_loop3A_578, %parallel_loop3A_585 : vector<16xf32>
          %parallel_loop3A_587 = arith.addf %parallel_loop3A_567, %parallel_loop3A_586 : vector<16xf32>
          %parallel_loop3A_588 = tpu.vector_load_idx %arg8[%parallel_loop3A_581] : memref<9826xf32, #tpu.memory_space<vmem>>[vector<16xi32>], vector<16xf32>,
          %parallel_loop3A_589 = arith.mulf %parallel_loop3A_578, %parallel_loop3A_588 : vector<16xf32>
          %parallel_loop3A_590 = arith.addf %parallel_loop3A_569, %parallel_loop3A_589 : vector<16xf32>
          %parallel_loop3A_591 = tpu.vector_load_idx %arg9[%parallel_loop3A_581] : memref<9826xf32, #tpu.memory_space<vmem>>[vector<16xi32>], vector<16xf32>,
          %parallel_loop3A_592 = arith.mulf %parallel_loop3A_578, %parallel_loop3A_591 : vector<16xf32>
          %parallel_loop3A_593 = arith.addf %parallel_loop3A_571, %parallel_loop3A_592 : vector<16xf32>
          %parallel_loop3A_594 = tpu.vector_load_idx %arg7[%parallel_loop3A_584] : memref<9826xf32, #tpu.memory_space<vmem>>[vector<16xi32>], vector<16xf32>,
          %parallel_loop3A_595 = arith.mulf %parallel_loop3A_578, %parallel_loop3A_594 : vector<16xf32>
          %parallel_loop3A_596 = arith.addf %parallel_loop3A_573, %parallel_loop3A_595 : vector<16xf32>
          %parallel_loop3A_597 = tpu.vector_load_idx %arg8[%parallel_loop3A_584] : memref<9826xf32, #tpu.memory_space<vmem>>[vector<16xi32>], vector<16xf32>,
          %parallel_loop3A_598 = arith.mulf %parallel_loop3A_578, %parallel_loop3A_597 : vector<16xf32>
          %parallel_loop3A_599 = arith.addf %parallel_loop3A_575, %parallel_loop3A_598 : vector<16xf32>
          %parallel_loop3A_600 = tpu.vector_load_idx %arg9[%parallel_loop3A_584] : memref<9826xf32, #tpu.memory_space<vmem>>[vector<16xi32>], vector<16xf32>,
          %parallel_loop3A_601 = arith.mulf %parallel_loop3A_578, %parallel_loop3A_600 : vector<16xf32>
          %parallel_loop3A_602 = arith.addf %parallel_loop3A_577, %parallel_loop3A_601 : vector<16xf32>
          %parallel_loop3A_603 = arith.mulf %parallel_loop3A_557, %parallel_loop3A_535 : vector<16xf32>
          %parallel_loop3A_604 = arith.mulf %parallel_loop3A_603, %parallel_loop3A_551 : vector<16xf32>
          %parallel_loop3A_605 = arith.constant 17 : i32
          %parallel_loop3A_606 = vector.broadcast %parallel_loop3A_605 : i32 to vector<16xi32>
          %parallel_loop3A_607 = arith.addi %parallel_loop3A_548, %parallel_loop3A_606 : vector<16xi32>
          %parallel_loop3A_608 = arith.constant 4913 : i32
          %parallel_loop3A_609 = vector.broadcast %parallel_loop3A_608 : i32 to vector<16xi32>
          %parallel_loop3A_610 = arith.addi %parallel_loop3A_607, %parallel_loop3A_609 : vector<16xi32>
          %parallel_loop3A_611 = tpu.vector_load_idx %arg7[%parallel_loop3A_607] : memref<9826xf32, #tpu.memory_space<vmem>>[vector<16xi32>], vector<16xf32>,
          %parallel_loop3A_612 = arith.mulf %parallel_loop3A_604, %parallel_loop3A_611 : vector<16xf32>
          %parallel_loop3A_613 = arith.addf %parallel_loop3A_587, %parallel_loop3A_612 : vector<16xf32>
          %parallel_loop3A_614 = tpu.vector_load_idx %arg8[%parallel_loop3A_607] : memref<9826xf32, #tpu.memory_space<vmem>>[vector<16xi32>], vector<16xf32>,
          %parallel_loop3A_615 = arith.mulf %parallel_loop3A_604, %parallel_loop3A_614 : vector<16xf32>
          %parallel_loop3A_616 = arith.addf %parallel_loop3A_590, %parallel_loop3A_615 : vector<16xf32>
          %parallel_loop3A_617 = tpu.vector_load_idx %arg9[%parallel_loop3A_607] : memref<9826xf32, #tpu.memory_space<vmem>>[vector<16xi32>], vector<16xf32>,
          %parallel_loop3A_618 = arith.mulf %parallel_loop3A_604, %parallel_loop3A_617 : vector<16xf32>
          %parallel_loop3A_619 = arith.addf %parallel_loop3A_593, %parallel_loop3A_618 : vector<16xf32>
          %parallel_loop3A_620 = tpu.vector_load_idx %arg7[%parallel_loop3A_610] : memref<9826xf32, #tpu.memory_space<vmem>>[vector<16xi32>], vector<16xf32>,
          %parallel_loop3A_621 = arith.mulf %parallel_loop3A_604, %parallel_loop3A_620 : vector<16xf32>
          %parallel_loop3A_622 = arith.addf %parallel_loop3A_596, %parallel_loop3A_621 : vector<16xf32>
          %parallel_loop3A_623 = tpu.vector_load_idx %arg8[%parallel_loop3A_610] : memref<9826xf32, #tpu.memory_space<vmem>>[vector<16xi32>], vector<16xf32>,
          %parallel_loop3A_624 = arith.mulf %parallel_loop3A_604, %parallel_loop3A_623 : vector<16xf32>
          %parallel_loop3A_625 = arith.addf %parallel_loop3A_599, %parallel_loop3A_624 : vector<16xf32>
          %parallel_loop3A_626 = tpu.vector_load_idx %arg9[%parallel_loop3A_610] : memref<9826xf32, #tpu.memory_space<vmem>>[vector<16xi32>], vector<16xf32>,
          %parallel_loop3A_627 = arith.mulf %parallel_loop3A_604, %parallel_loop3A_626 : vector<16xf32>
          %parallel_loop3A_628 = arith.addf %parallel_loop3A_602, %parallel_loop3A_627 : vector<16xf32>
          %parallel_loop3A_629 = arith.mulf %parallel_loop3A_603, %parallel_loop3A_537 : vector<16xf32>
          %parallel_loop3A_630 = arith.constant 18 : i32
          %parallel_loop3A_631 = vector.broadcast %parallel_loop3A_630 : i32 to vector<16xi32>
          %parallel_loop3A_632 = arith.addi %parallel_loop3A_548, %parallel_loop3A_631 : vector<16xi32>
          %parallel_loop3A_633 = arith.constant 4913 : i32
          %parallel_loop3A_634 = vector.broadcast %parallel_loop3A_633 : i32 to vector<16xi32>
          %parallel_loop3A_635 = arith.addi %parallel_loop3A_632, %parallel_loop3A_634 : vector<16xi32>
          %parallel_loop3A_636 = tpu.vector_load_idx %arg7[%parallel_loop3A_632] : memref<9826xf32, #tpu.memory_space<vmem>>[vector<16xi32>], vector<16xf32>,
          %parallel_loop3A_637 = arith.mulf %parallel_loop3A_629, %parallel_loop3A_636 : vector<16xf32>
          %parallel_loop3A_638 = arith.addf %parallel_loop3A_613, %parallel_loop3A_637 : vector<16xf32>
          %parallel_loop3A_639 = tpu.vector_load_idx %arg8[%parallel_loop3A_632] : memref<9826xf32, #tpu.memory_space<vmem>>[vector<16xi32>], vector<16xf32>,
          %parallel_loop3A_640 = arith.mulf %parallel_loop3A_629, %parallel_loop3A_639 : vector<16xf32>
          %parallel_loop3A_641 = arith.addf %parallel_loop3A_616, %parallel_loop3A_640 : vector<16xf32>
          %parallel_loop3A_642 = tpu.vector_load_idx %arg9[%parallel_loop3A_632] : memref<9826xf32, #tpu.memory_space<vmem>>[vector<16xi32>], vector<16xf32>,
          %parallel_loop3A_643 = arith.mulf %parallel_loop3A_629, %parallel_loop3A_642 : vector<16xf32>
          %parallel_loop3A_644 = arith.addf %parallel_loop3A_619, %parallel_loop3A_643 : vector<16xf32>
          %parallel_loop3A_645 = tpu.vector_load_idx %arg7[%parallel_loop3A_635] : memref<9826xf32, #tpu.memory_space<vmem>>[vector<16xi32>], vector<16xf32>,
          %parallel_loop3A_646 = arith.mulf %parallel_loop3A_629, %parallel_loop3A_645 : vector<16xf32>
          %parallel_loop3A_647 = arith.addf %parallel_loop3A_622, %parallel_loop3A_646 : vector<16xf32>
          %parallel_loop3A_648 = tpu.vector_load_idx %arg8[%parallel_loop3A_635] : memref<9826xf32, #tpu.memory_space<vmem>>[vector<16xi32>], vector<16xf32>,
          %parallel_loop3A_649 = arith.mulf %parallel_loop3A_629, %parallel_loop3A_648 : vector<16xf32>
          %parallel_loop3A_650 = arith.addf %parallel_loop3A_625, %parallel_loop3A_649 : vector<16xf32>
          %parallel_loop3A_651 = tpu.vector_load_idx %arg9[%parallel_loop3A_635] : memref<9826xf32, #tpu.memory_space<vmem>>[vector<16xi32>], vector<16xf32>,
          %parallel_loop3A_652 = arith.mulf %parallel_loop3A_629, %parallel_loop3A_651 : vector<16xf32>
          %parallel_loop3A_653 = arith.addf %parallel_loop3A_628, %parallel_loop3A_652 : vector<16xf32>
          %parallel_loop3A_654 = arith.mulf %parallel_loop3A_533, %parallel_loop3A_554 : vector<16xf32>
          %parallel_loop3A_655 = arith.mulf %parallel_loop3A_654, %parallel_loop3A_551 : vector<16xf32>
          %parallel_loop3A_656 = arith.constant 289 : i32
          %parallel_loop3A_657 = vector.broadcast %parallel_loop3A_656 : i32 to vector<16xi32>
          %parallel_loop3A_658 = arith.addi %parallel_loop3A_548, %parallel_loop3A_657 : vector<16xi32>
          %parallel_loop3A_659 = arith.constant 4913 : i32
          %parallel_loop3A_660 = vector.broadcast %parallel_loop3A_659 : i32 to vector<16xi32>
          %parallel_loop3A_661 = arith.addi %parallel_loop3A_658, %parallel_loop3A_660 : vector<16xi32>
          %parallel_loop3A_662 = tpu.vector_load_idx %arg7[%parallel_loop3A_658] : memref<9826xf32, #tpu.memory_space<vmem>>[vector<16xi32>], vector<16xf32>,
          %parallel_loop3A_663 = arith.mulf %parallel_loop3A_655, %parallel_loop3A_662 : vector<16xf32>
          %parallel_loop3A_664 = arith.addf %parallel_loop3A_638, %parallel_loop3A_663 : vector<16xf32>
          %parallel_loop3A_665 = tpu.vector_load_idx %arg8[%parallel_loop3A_658] : memref<9826xf32, #tpu.memory_space<vmem>>[vector<16xi32>], vector<16xf32>,
          %parallel_loop3A_666 = arith.mulf %parallel_loop3A_655, %parallel_loop3A_665 : vector<16xf32>
          %parallel_loop3A_667 = arith.addf %parallel_loop3A_641, %parallel_loop3A_666 : vector<16xf32>
          %parallel_loop3A_668 = tpu.vector_load_idx %arg9[%parallel_loop3A_658] : memref<9826xf32, #tpu.memory_space<vmem>>[vector<16xi32>], vector<16xf32>,
          %parallel_loop3A_669 = arith.mulf %parallel_loop3A_655, %parallel_loop3A_668 : vector<16xf32>
          %parallel_loop3A_670 = arith.addf %parallel_loop3A_644, %parallel_loop3A_669 : vector<16xf32>
          %parallel_loop3A_671 = tpu.vector_load_idx %arg7[%parallel_loop3A_661] : memref<9826xf32, #tpu.memory_space<vmem>>[vector<16xi32>], vector<16xf32>,
          %parallel_loop3A_672 = arith.mulf %parallel_loop3A_655, %parallel_loop3A_671 : vector<16xf32>
          %parallel_loop3A_673 = arith.addf %parallel_loop3A_647, %parallel_loop3A_672 : vector<16xf32>
          %parallel_loop3A_674 = tpu.vector_load_idx %arg8[%parallel_loop3A_661] : memref<9826xf32, #tpu.memory_space<vmem>>[vector<16xi32>], vector<16xf32>,
          %parallel_loop3A_675 = arith.mulf %parallel_loop3A_655, %parallel_loop3A_674 : vector<16xf32>
          %parallel_loop3A_676 = arith.addf %parallel_loop3A_650, %parallel_loop3A_675 : vector<16xf32>
          %parallel_loop3A_677 = tpu.vector_load_idx %arg9[%parallel_loop3A_661] : memref<9826xf32, #tpu.memory_space<vmem>>[vector<16xi32>], vector<16xf32>,
          %parallel_loop3A_678 = arith.mulf %parallel_loop3A_655, %parallel_loop3A_677 : vector<16xf32>
          %parallel_loop3A_679 = arith.addf %parallel_loop3A_653, %parallel_loop3A_678 : vector<16xf32>
          %parallel_loop3A_680 = arith.mulf %parallel_loop3A_654, %parallel_loop3A_537 : vector<16xf32>
          %parallel_loop3A_681 = arith.constant 290 : i32
          %parallel_loop3A_682 = vector.broadcast %parallel_loop3A_681 : i32 to vector<16xi32>
          %parallel_loop3A_683 = arith.addi %parallel_loop3A_548, %parallel_loop3A_682 : vector<16xi32>
          %parallel_loop3A_684 = arith.constant 4913 : i32
          %parallel_loop3A_685 = vector.broadcast %parallel_loop3A_684 : i32 to vector<16xi32>
          %parallel_loop3A_686 = arith.addi %parallel_loop3A_683, %parallel_loop3A_685 : vector<16xi32>
          %parallel_loop3A_687 = tpu.vector_load_idx %arg7[%parallel_loop3A_683] : memref<9826xf32, #tpu.memory_space<vmem>>[vector<16xi32>], vector<16xf32>,
          %parallel_loop3A_688 = arith.mulf %parallel_loop3A_680, %parallel_loop3A_687 : vector<16xf32>
          %parallel_loop3A_689 = arith.addf %parallel_loop3A_664, %parallel_loop3A_688 : vector<16xf32>
          %parallel_loop3A_690 = tpu.vector_load_idx %arg8[%parallel_loop3A_683] : memref<9826xf32, #tpu.memory_space<vmem>>[vector<16xi32>], vector<16xf32>,
          %parallel_loop3A_691 = arith.mulf %parallel_loop3A_680, %parallel_loop3A_690 : vector<16xf32>
          %parallel_loop3A_692 = arith.addf %parallel_loop3A_667, %parallel_loop3A_691 : vector<16xf32>
          %parallel_loop3A_693 = tpu.vector_load_idx %arg9[%parallel_loop3A_683] : memref<9826xf32, #tpu.memory_space<vmem>>[vector<16xi32>], vector<16xf32>,
          %parallel_loop3A_694 = arith.mulf %parallel_loop3A_680, %parallel_loop3A_693 : vector<16xf32>
          %parallel_loop3A_695 = arith.addf %parallel_loop3A_670, %parallel_loop3A_694 : vector<16xf32>
          %parallel_loop3A_696 = tpu.vector_load_idx %arg7[%parallel_loop3A_686] : memref<9826xf32, #tpu.memory_space<vmem>>[vector<16xi32>], vector<16xf32>,
          %parallel_loop3A_697 = arith.mulf %parallel_loop3A_680, %parallel_loop3A_696 : vector<16xf32>
          %parallel_loop3A_698 = arith.addf %parallel_loop3A_673, %parallel_loop3A_697 : vector<16xf32>
          %parallel_loop3A_699 = tpu.vector_load_idx %arg8[%parallel_loop3A_686] : memref<9826xf32, #tpu.memory_space<vmem>>[vector<16xi32>], vector<16xf32>,
          %parallel_loop3A_700 = arith.mulf %parallel_loop3A_680, %parallel_loop3A_699 : vector<16xf32>
          %parallel_loop3A_701 = arith.addf %parallel_loop3A_676, %parallel_loop3A_700 : vector<16xf32>
          %parallel_loop3A_702 = tpu.vector_load_idx %arg9[%parallel_loop3A_686] : memref<9826xf32, #tpu.memory_space<vmem>>[vector<16xi32>], vector<16xf32>,
          %parallel_loop3A_703 = arith.mulf %parallel_loop3A_680, %parallel_loop3A_702 : vector<16xf32>
          %parallel_loop3A_704 = arith.addf %parallel_loop3A_679, %parallel_loop3A_703 : vector<16xf32>
          %parallel_loop3A_705 = arith.mulf %parallel_loop3A_533, %parallel_loop3A_535 : vector<16xf32>
          %parallel_loop3A_706 = arith.mulf %parallel_loop3A_705, %parallel_loop3A_551 : vector<16xf32>
          %parallel_loop3A_707 = arith.constant 306 : i32
          %parallel_loop3A_708 = vector.broadcast %parallel_loop3A_707 : i32 to vector<16xi32>
          %parallel_loop3A_709 = arith.addi %parallel_loop3A_548, %parallel_loop3A_708 : vector<16xi32>
          %parallel_loop3A_710 = arith.constant 4913 : i32
          %parallel_loop3A_711 = vector.broadcast %parallel_loop3A_710 : i32 to vector<16xi32>
          %parallel_loop3A_712 = arith.addi %parallel_loop3A_709, %parallel_loop3A_711 : vector<16xi32>
          %parallel_loop3A_713 = tpu.vector_load_idx %arg7[%parallel_loop3A_709] : memref<9826xf32, #tpu.memory_space<vmem>>[vector<16xi32>], vector<16xf32>,
          %parallel_loop3A_714 = arith.mulf %parallel_loop3A_706, %parallel_loop3A_713 : vector<16xf32>
          %parallel_loop3A_715 = arith.addf %parallel_loop3A_689, %parallel_loop3A_714 : vector<16xf32>
          %parallel_loop3A_716 = tpu.vector_load_idx %arg8[%parallel_loop3A_709] : memref<9826xf32, #tpu.memory_space<vmem>>[vector<16xi32>], vector<16xf32>,
          %parallel_loop3A_717 = arith.mulf %parallel_loop3A_706, %parallel_loop3A_716 : vector<16xf32>
          %parallel_loop3A_718 = arith.addf %parallel_loop3A_692, %parallel_loop3A_717 : vector<16xf32>
          %parallel_loop3A_719 = tpu.vector_load_idx %arg9[%parallel_loop3A_709] : memref<9826xf32, #tpu.memory_space<vmem>>[vector<16xi32>], vector<16xf32>,
          %parallel_loop3A_720 = arith.mulf %parallel_loop3A_706, %parallel_loop3A_719 : vector<16xf32>
          %parallel_loop3A_721 = arith.addf %parallel_loop3A_695, %parallel_loop3A_720 : vector<16xf32>
          %parallel_loop3A_722 = tpu.vector_load_idx %arg7[%parallel_loop3A_712] : memref<9826xf32, #tpu.memory_space<vmem>>[vector<16xi32>], vector<16xf32>,
          %parallel_loop3A_723 = arith.mulf %parallel_loop3A_706, %parallel_loop3A_722 : vector<16xf32>
          %parallel_loop3A_724 = arith.addf %parallel_loop3A_698, %parallel_loop3A_723 : vector<16xf32>
          %parallel_loop3A_725 = tpu.vector_load_idx %arg8[%parallel_loop3A_712] : memref<9826xf32, #tpu.memory_space<vmem>>[vector<16xi32>], vector<16xf32>,
          %parallel_loop3A_726 = arith.mulf %parallel_loop3A_706, %parallel_loop3A_725 : vector<16xf32>
          %parallel_loop3A_727 = arith.addf %parallel_loop3A_701, %parallel_loop3A_726 : vector<16xf32>
          %parallel_loop3A_728 = tpu.vector_load_idx %arg9[%parallel_loop3A_712] : memref<9826xf32, #tpu.memory_space<vmem>>[vector<16xi32>], vector<16xf32>,
          %parallel_loop3A_729 = arith.mulf %parallel_loop3A_706, %parallel_loop3A_728 : vector<16xf32>
          %parallel_loop3A_730 = arith.addf %parallel_loop3A_704, %parallel_loop3A_729 : vector<16xf32>
          %parallel_loop3A_731 = arith.mulf %parallel_loop3A_705, %parallel_loop3A_537 : vector<16xf32>
          %parallel_loop3A_732 = arith.constant 307 : i32
          %parallel_loop3A_733 = vector.broadcast %parallel_loop3A_732 : i32 to vector<16xi32>
          %parallel_loop3A_734 = arith.addi %parallel_loop3A_548, %parallel_loop3A_733 : vector<16xi32>
          %parallel_loop3A_735 = arith.constant 4913 : i32
          %parallel_loop3A_736 = vector.broadcast %parallel_loop3A_735 : i32 to vector<16xi32>
          %parallel_loop3A_737 = arith.addi %parallel_loop3A_734, %parallel_loop3A_736 : vector<16xi32>
          %parallel_loop3A_738 = tpu.vector_load_idx %arg7[%parallel_loop3A_734] : memref<9826xf32, #tpu.memory_space<vmem>>[vector<16xi32>], vector<16xf32>,
          %parallel_loop3A_739 = arith.mulf %parallel_loop3A_731, %parallel_loop3A_738 : vector<16xf32>
          %parallel_loop3A_740 = arith.addf %parallel_loop3A_715, %parallel_loop3A_739 : vector<16xf32>
          %parallel_loop3A_741 = tpu.vector_load_idx %arg8[%parallel_loop3A_734] : memref<9826xf32, #tpu.memory_space<vmem>>[vector<16xi32>], vector<16xf32>,
          %parallel_loop3A_742 = arith.mulf %parallel_loop3A_731, %parallel_loop3A_741 : vector<16xf32>
          %parallel_loop3A_743 = arith.addf %parallel_loop3A_718, %parallel_loop3A_742 : vector<16xf32>
          %parallel_loop3A_744 = tpu.vector_load_idx %arg9[%parallel_loop3A_734] : memref<9826xf32, #tpu.memory_space<vmem>>[vector<16xi32>], vector<16xf32>,
          %parallel_loop3A_745 = arith.mulf %parallel_loop3A_731, %parallel_loop3A_744 : vector<16xf32>
          %parallel_loop3A_746 = arith.addf %parallel_loop3A_721, %parallel_loop3A_745 : vector<16xf32>
          %parallel_loop3A_747 = tpu.vector_load_idx %arg7[%parallel_loop3A_737] : memref<9826xf32, #tpu.memory_space<vmem>>[vector<16xi32>], vector<16xf32>,
          %parallel_loop3A_748 = arith.mulf %parallel_loop3A_731, %parallel_loop3A_747 : vector<16xf32>
          %parallel_loop3A_749 = arith.addf %parallel_loop3A_724, %parallel_loop3A_748 : vector<16xf32>
          %parallel_loop3A_750 = tpu.vector_load_idx %arg8[%parallel_loop3A_737] : memref<9826xf32, #tpu.memory_space<vmem>>[vector<16xi32>], vector<16xf32>,
          %parallel_loop3A_751 = arith.mulf %parallel_loop3A_731, %parallel_loop3A_750 : vector<16xf32>
          %parallel_loop3A_752 = arith.addf %parallel_loop3A_727, %parallel_loop3A_751 : vector<16xf32>
          %parallel_loop3A_753 = tpu.vector_load_idx %arg9[%parallel_loop3A_737] : memref<9826xf32, #tpu.memory_space<vmem>>[vector<16xi32>], vector<16xf32>,
          %parallel_loop3A_754 = arith.mulf %parallel_loop3A_731, %parallel_loop3A_753 : vector<16xf32>
          %parallel_loop3A_755 = arith.addf %parallel_loop3A_730, %parallel_loop3A_754 : vector<16xf32>
          %parallel_loop3A_756 = arith.constant 1.000000e+00 : f32
          %parallel_loop3A_757 = vector.broadcast %parallel_loop3A_756 : f32 to vector<16xf32>
          %parallel_loop3A_758 = arith.subf %parallel_loop3A_757, %parallel_loop3A_540 : vector<16xf32>
          %parallel_loop3A_759 = arith.mulf %parallel_loop3A_758, %parallel_loop3A_740 : vector<16xf32>
          %parallel_loop3A_760 = arith.mulf %parallel_loop3A_540, %parallel_loop3A_749 : vector<16xf32>
          %parallel_loop3A_761 = arith.addf %parallel_loop3A_759, %parallel_loop3A_760 : vector<16xf32>
          %parallel_loop3A_762 = arith.constant 0 : i32
          %parallel_loop3A_763 = arith.constant 0 : i32
          %parallel_loop3A_764 = arith.constant 0 : i32
          %parallel_loop3A_765 = arith.constant 0 : i32
          %parallel_loop3A_766 = tpu.memref_slice %arg11[%and3A_273, %parallel_loop3A_763, %parallel_loop3A_764, %parallel_loop3A_765] : memref<2x3x8x512xf32, #tpu.memory_space<vmem>> -> memref<1x3x8x512xf32, #tpu.memory_space<vmem>>
          %parallel_loop3A_767 = tpu.memref_squeeze %parallel_loop3A_766 : memref<1x3x8x512xf32, #tpu.memory_space<vmem>> -> memref<3x8x512xf32, #tpu.memory_space<vmem>>
          %parallel_loop3A_768 = arith.index_cast %parallel_loop3A_762 : i32 to index
          %parallel_loop3A_769 = arith.index_cast %scan3A_474 : i32 to index
          %parallel_loop3A_770 = arith.index_cast %parallel_loop3A_479 : i32 to index
          %parallel_loop3A_771 = tpu.vector_load %parallel_loop3A_767[%parallel_loop3A_768, %parallel_loop3A_769, %parallel_loop3A_770] {strides = array<i32>} : memref<3x8x512xf32, #tpu.memory_space<vmem>>, vector<16xf32>,
          tpu.vector_store %parallel_loop3A_767[%parallel_loop3A_768, %parallel_loop3A_769, %parallel_loop3A_770], %parallel_loop3A_761 {strides = array<i32>} : memref<3x8x512xf32, #tpu.memory_space<vmem>>, vector<16xf32>,
          %parallel_loop3A_772 = arith.mulf %parallel_loop3A_758, %parallel_loop3A_743 : vector<16xf32>
          %parallel_loop3A_773 = arith.mulf %parallel_loop3A_540, %parallel_loop3A_752 : vector<16xf32>
          %parallel_loop3A_774 = arith.addf %parallel_loop3A_772, %parallel_loop3A_773 : vector<16xf32>
          %parallel_loop3A_775 = arith.constant 1 : i32
          %parallel_loop3A_776 = arith.constant 0 : i32
          %parallel_loop3A_777 = arith.constant 0 : i32
          %parallel_loop3A_778 = arith.constant 0 : i32
          %parallel_loop3A_779 = tpu.memref_slice %arg11[%and3A_273, %parallel_loop3A_776, %parallel_loop3A_777, %parallel_loop3A_778] : memref<2x3x8x512xf32, #tpu.memory_space<vmem>> -> memref<1x3x8x512xf32, #tpu.memory_space<vmem>>
          %parallel_loop3A_780 = tpu.memref_squeeze %parallel_loop3A_779 : memref<1x3x8x512xf32, #tpu.memory_space<vmem>> -> memref<3x8x512xf32, #tpu.memory_space<vmem>>
          %parallel_loop3A_781 = arith.index_cast %parallel_loop3A_775 : i32 to index
          %parallel_loop3A_782 = arith.index_cast %scan3A_474 : i32 to index
          %parallel_loop3A_783 = arith.index_cast %parallel_loop3A_479 : i32 to index
          %parallel_loop3A_784 = tpu.vector_load %parallel_loop3A_780[%parallel_loop3A_781, %parallel_loop3A_782, %parallel_loop3A_783] {strides = array<i32>} : memref<3x8x512xf32, #tpu.memory_space<vmem>>, vector<16xf32>,
          tpu.vector_store %parallel_loop3A_780[%parallel_loop3A_781, %parallel_loop3A_782, %parallel_loop3A_783], %parallel_loop3A_774 {strides = array<i32>} : memref<3x8x512xf32, #tpu.memory_space<vmem>>, vector<16xf32>,
          %parallel_loop3A_785 = arith.mulf %parallel_loop3A_758, %parallel_loop3A_746 : vector<16xf32>
          %parallel_loop3A_786 = arith.mulf %parallel_loop3A_540, %parallel_loop3A_755 : vector<16xf32>
          %parallel_loop3A_787 = arith.addf %parallel_loop3A_785, %parallel_loop3A_786 : vector<16xf32>
          %parallel_loop3A_788 = arith.constant 2 : i32
          %parallel_loop3A_789 = arith.constant 0 : i32
          %parallel_loop3A_790 = arith.constant 0 : i32
          %parallel_loop3A_791 = arith.constant 0 : i32
          %parallel_loop3A_792 = tpu.memref_slice %arg11[%and3A_273, %parallel_loop3A_789, %parallel_loop3A_790, %parallel_loop3A_791] : memref<2x3x8x512xf32, #tpu.memory_space<vmem>> -> memref<1x3x8x512xf32, #tpu.memory_space<vmem>>
          %parallel_loop3A_793 = tpu.memref_squeeze %parallel_loop3A_792 : memref<1x3x8x512xf32, #tpu.memory_space<vmem>> -> memref<3x8x512xf32, #tpu.memory_space<vmem>>
          %parallel_loop3A_794 = arith.index_cast %parallel_loop3A_788 : i32 to index
          %parallel_loop3A_795 = arith.index_cast %scan3A_474 : i32 to index
          %parallel_loop3A_796 = arith.index_cast %parallel_loop3A_479 : i32 to index
          %parallel_loop3A_797 = tpu.vector_load %parallel_loop3A_793[%parallel_loop3A_794, %parallel_loop3A_795, %parallel_loop3A_796] {strides = array<i32>} : memref<3x8x512xf32, #tpu.memory_space<vmem>>, vector<16xf32>,
          tpu.vector_store %parallel_loop3A_793[%parallel_loop3A_794, %parallel_loop3A_795, %parallel_loop3A_796], %parallel_loop3A_787 {strides = array<i32>} : memref<3x8x512xf32, #tpu.memory_space<vmem>>, vector<16xf32>,
        } {sc.loop_unroll_factor = 1 : i64, sc.parallel_access}
      }
      %scan3A_411 = arith.constant 8 : i32
      %jit3A_412 = arith.constant 64 : i32
      %div3A_413 = arith.divsi %add3A_271, %jit3A_412 : i32
      %sign3A_414 = arith.constant 0 : i32
      %sign3A_415 = arith.cmpi sgt, %add3A_271, %sign3A_414 : i32
      %sign3A_416 = arith.extui %sign3A_415 : i1 to i32
      %sign3A_417 = arith.constant 0 : i32
      %sign3A_418 = arith.cmpi slt, %add3A_271, %sign3A_417 : i32
      %sign3A_419 = arith.extui %sign3A_418 : i1 to i32
      %sign3A_420 = arith.subi %sign3A_416, %sign3A_419 : i32
      %sign3A_421 = arith.constant 0 : i32
      %sign3A_422 = arith.cmpi sgt, %jit3A_412, %sign3A_421 : i32
      %sign3A_423 = arith.extui %sign3A_422 : i1 to i32
      %sign3A_424 = arith.constant 0 : i32
      %sign3A_425 = arith.cmpi slt, %jit3A_412, %sign3A_424 : i32
      %sign3A_426 = arith.extui %sign3A_425 : i1 to i32
      %sign3A_427 = arith.subi %sign3A_423, %sign3A_426 : i32
      %ne3A_428 = arith.cmpi ne, %sign3A_420, %sign3A_427 : i32
      %rem3A_429 = arith.remsi %add3A_271, %jit3A_412 : i32
      %ne3A_430 = arith.constant 0 : i32
      %ne3A_431 = arith.cmpi ne, %rem3A_429, %ne3A_430 : i32
      %and3A_432 = arith.andi %ne3A_428, %ne3A_431 : i1
      %sub3A_433 = arith.constant 1 : i32
      %sub3A_434 = arith.subi %div3A_413, %sub3A_433 : i32
      %select_n3A_435 = arith.select %and3A_432, %sub3A_434, %div3A_413 : i32
      %jit3A_436 = arith.constant 64 : i32
      %eq3A_437 = arith.constant 0 : i32
      %eq3A_438 = arith.cmpi eq, %jit3A_436, %eq3A_437 : i32
      %jit3A_439 = arith.constant 1 : i32
      %select_n3A_440 = arith.select %eq3A_438, %jit3A_439, %jit3A_436 : i32
      %rem3A_441 = arith.remsi %add3A_271, %select_n3A_440 : i32
      %ne3A_442 = arith.constant 0 : i32
      %ne3A_443 = arith.cmpi ne, %rem3A_441, %ne3A_442 : i32
      %lt3A_444 = arith.constant 0 : i32
      %lt3A_445 = arith.cmpi slt, %rem3A_441, %lt3A_444 : i32
      %lt3A_446 = arith.constant 0 : i32
      %lt3A_447 = arith.cmpi slt, %select_n3A_440, %lt3A_446 : i32
      %ne3A_448 = arith.xori %lt3A_445, %lt3A_447 : i1
      %and3A_449 = arith.andi %ne3A_448, %ne3A_443 : i1
      %add3A_450 = arith.addi %rem3A_441, %select_n3A_440 : i32
      %select_n3A_451 = arith.select %and3A_449, %add3A_450, %rem3A_441 : i32
      %mul3A_452 = arith.constant 8 : i32
      %mul3A_453 = arith.muli %select_n3A_451, %mul3A_452 : i32
      %dma_start3A_454 = arith.constant 0 : i32
      %dma_start3A_455 = arith.constant 0 : i32
      %dma_start3A_456 = arith.constant 0 : i32
      %dma_start3A_457 = tpu.memref_slice %arg11[%and3A_273, %dma_start3A_454, %dma_start3A_455, %dma_start3A_456] : memref<2x3x8x512xf32, #tpu.memory_space<vmem>> -> memref<1x3x8x512xf32, #tpu.memory_space<vmem>>
      %dma_start3A_458 = tpu.memref_squeeze %dma_start3A_457 : memref<1x3x8x512xf32, #tpu.memory_space<vmem>> -> memref<3x8x512xf32, #tpu.memory_space<vmem>>
      %dma_start3A_459 = arith.constant 0 : i32
      %dma_start3A_460 = arith.constant 0 : i32
      %dma_start3A_461 = tpu.memref_slice %arg6[%select_n3A_435, %dma_start3A_459, %mul3A_453, %dma_start3A_460] : memref<16x3x512x512xf32, #tpu.memory_space<hbm>> -> memref<1x3x8x512xf32, #tpu.memory_space<hbm>>
      %dma_start3A_462 = tpu.memref_squeeze %dma_start3A_461 : memref<1x3x8x512xf32, #tpu.memory_space<hbm>> -> memref<3x8x512xf32, #tpu.memory_space<hbm>>
      %dma_start3A_463 = tpu.memref_slice %arg13[%and3A_273] : memref<2x!tpu.dma_semaphore, #tpu.memory_space<semaphore_mem>> -> memref<1x!tpu.dma_semaphore, #tpu.memory_space<semaphore_mem>>
      %dma_start3A_464 = tpu.memref_squeeze %dma_start3A_463 : memref<1x!tpu.dma_semaphore, #tpu.memory_space<semaphore_mem>> -> memref<!tpu.dma_semaphore, #tpu.memory_space<semaphore_mem>>
      %dma_start3A_465 = arith.constant 0 : i32
      %dma_start3A_466 = arith.constant 0 : i32
      %dma_start3A_467 = tpu.memref_slice %arg6[%select_n3A_435, %dma_start3A_465, %mul3A_453, %dma_start3A_466] : memref<16x3x512x512xf32, #tpu.memory_space<hbm>> -> memref<1x3x8x512xf32, #tpu.memory_space<hbm>>
      %dma_start3A_468 = tpu.memref_squeeze %dma_start3A_467 : memref<1x3x8x512xf32, #tpu.memory_space<hbm>> -> memref<3x8x512xf32, #tpu.memory_space<hbm>>
      %dma_start3A_469 = arith.constant 0 : i32
      %dma_start3A_470 = arith.constant 0 : i32
      %dma_start3A_471 = arith.constant 0 : i32
      %dma_start3A_472 = tpu.memref_slice %arg11[%and3A_273, %dma_start3A_469, %dma_start3A_470, %dma_start3A_471] : memref<2x3x8x512xf32, #tpu.memory_space<vmem>> -> memref<1x3x8x512xf32, #tpu.memory_space<vmem>>
      %dma_start3A_473 = tpu.memref_squeeze %dma_start3A_472 : memref<1x3x8x512xf32, #tpu.memory_space<vmem>> -> memref<3x8x512xf32, #tpu.memory_space<vmem>>
      tpu.enqueue_dma source(%dma_start3A_473 : memref<3x8x512xf32, #tpu.memory_space<vmem>>) target(%dma_start3A_468 : memref<3x8x512xf32, #tpu.memory_space<hbm>>) target_semaphore(%dma_start3A_464 : memref<!tpu.dma_semaphore, #tpu.memory_space<semaphore_mem>>)
    }
    %scan3A_77 = arith.constant 32 : i32
    %jit3A_78 = arith.constant 64 : i32
    %div3A_79 = arith.divsi %mul3A_2, %jit3A_78 : i32
    %sign3A_80 = arith.constant 0 : i32
    %sign3A_81 = arith.cmpi sgt, %mul3A_2, %sign3A_80 : i32
    %sign3A_82 = arith.extui %sign3A_81 : i1 to i32
    %sign3A_83 = arith.constant 0 : i32
    %sign3A_84 = arith.cmpi slt, %mul3A_2, %sign3A_83 : i32
    %sign3A_85 = arith.extui %sign3A_84 : i1 to i32
    %sign3A_86 = arith.subi %sign3A_82, %sign3A_85 : i32
    %sign3A_87 = arith.constant 0 : i32
    %sign3A_88 = arith.cmpi sgt, %jit3A_78, %sign3A_87 : i32
    %sign3A_89 = arith.extui %sign3A_88 : i1 to i32
    %sign3A_90 = arith.constant 0 : i32
    %sign3A_91 = arith.cmpi slt, %jit3A_78, %sign3A_90 : i32
    %sign3A_92 = arith.extui %sign3A_91 : i1 to i32
    %sign3A_93 = arith.subi %sign3A_89, %sign3A_92 : i32
    %ne3A_94 = arith.cmpi ne, %sign3A_86, %sign3A_93 : i32
    %rem3A_95 = arith.remsi %mul3A_2, %jit3A_78 : i32
    %ne3A_96 = arith.constant 0 : i32
    %ne3A_97 = arith.cmpi ne, %rem3A_95, %ne3A_96 : i32
    %and3A_98 = arith.andi %ne3A_94, %ne3A_97 : i1
    %sub3A_99 = arith.constant 1 : i32
    %sub3A_100 = arith.subi %div3A_79, %sub3A_99 : i32
    %select_n3A_101 = arith.select %and3A_98, %sub3A_100, %div3A_79 : i32
    %jit3A_102 = arith.constant 64 : i32
    %eq3A_103 = arith.constant 0 : i32
    %eq3A_104 = arith.cmpi eq, %jit3A_102, %eq3A_103 : i32
    %jit3A_105 = arith.constant 1 : i32
    %select_n3A_106 = arith.select %eq3A_104, %jit3A_105, %jit3A_102 : i32
    %rem3A_107 = arith.remsi %mul3A_2, %select_n3A_106 : i32
    %ne3A_108 = arith.constant 0 : i32
    %ne3A_109 = arith.cmpi ne, %rem3A_107, %ne3A_108 : i32
    %lt3A_110 = arith.constant 0 : i32
    %lt3A_111 = arith.cmpi slt, %rem3A_107, %lt3A_110 : i32
    %lt3A_112 = arith.constant 0 : i32
    %lt3A_113 = arith.cmpi slt, %select_n3A_106, %lt3A_112 : i32
    %ne3A_114 = arith.xori %lt3A_111, %lt3A_113 : i1
    %and3A_115 = arith.andi %ne3A_114, %ne3A_109 : i1
    %add3A_116 = arith.addi %rem3A_107, %select_n3A_106 : i32
    %select_n3A_117 = arith.select %and3A_115, %add3A_116, %rem3A_107 : i32
    %mul3A_118 = arith.constant 8 : i32
    %mul3A_119 = arith.muli %select_n3A_117, %mul3A_118 : i32
    %dma_wait3A_120 = arith.constant 0 : i32
    %dma_wait3A_121 = arith.constant 0 : i32
    %dma_wait3A_122 = arith.constant 0 : i32
    %dma_wait3A_123 = arith.constant 0 : i32
    %dma_wait3A_124 = arith.constant 0 : i32
    %dma_wait3A_125 = tpu.memref_slice %arg10[%dma_wait3A_120, %dma_wait3A_122, %dma_wait3A_123, %dma_wait3A_124] : memref<2x4x8x512xf32, #tpu.memory_space<vmem>> -> memref<1x4x8x512xf32, #tpu.memory_space<vmem>>
    %dma_wait3A_126 = tpu.memref_squeeze %dma_wait3A_125 : memref<1x4x8x512xf32, #tpu.memory_space<vmem>> -> memref<4x8x512xf32, #tpu.memory_space<vmem>>
    %dma_wait3A_127 = arith.constant 0 : i32
    %dma_wait3A_128 = arith.constant 0 : i32
    %dma_wait3A_129 = tpu.memref_slice %arg2[%select_n3A_101, %dma_wait3A_127, %mul3A_119, %dma_wait3A_128] : memref<16x4x512x512xf32, #tpu.memory_space<hbm>> -> memref<1x4x8x512xf32, #tpu.memory_space<hbm>>
    %dma_wait3A_130 = tpu.memref_squeeze %dma_wait3A_129 : memref<1x4x8x512xf32, #tpu.memory_space<hbm>> -> memref<4x8x512xf32, #tpu.memory_space<hbm>>
    %dma_wait3A_131 = tpu.memref_slice %arg12[%dma_wait3A_121] : memref<2x!tpu.dma_semaphore, #tpu.memory_space<semaphore_mem>> -> memref<1x!tpu.dma_semaphore, #tpu.memory_space<semaphore_mem>>
    %dma_wait3A_132 = tpu.memref_squeeze %dma_wait3A_131 : memref<1x!tpu.dma_semaphore, #tpu.memory_space<semaphore_mem>> -> memref<!tpu.dma_semaphore, #tpu.memory_space<semaphore_mem>>
    %dma_wait3A_133 = arith.constant 0 : i32
    %dma_wait3A_134 = arith.constant 0 : i32
    %dma_wait3A_135 = arith.constant 0 : i32
    %dma_wait3A_136 = tpu.memref_slice %arg10[%dma_wait3A_120, %dma_wait3A_133, %dma_wait3A_134, %dma_wait3A_135] : memref<2x4x8x512xf32, #tpu.memory_space<vmem>> -> memref<1x4x8x512xf32, #tpu.memory_space<vmem>>
    %dma_wait3A_137 = tpu.memref_squeeze %dma_wait3A_136 : memref<1x4x8x512xf32, #tpu.memory_space<vmem>> -> memref<4x8x512xf32, #tpu.memory_space<vmem>>
    %dma_wait3A_138 = arith.constant 0 : i32
    %dma_wait3A_139 = arith.constant 0 : i32
    %dma_wait3A_140 = tpu.memref_slice %arg2[%select_n3A_101, %dma_wait3A_138, %mul3A_119, %dma_wait3A_139] : memref<16x4x512x512xf32, #tpu.memory_space<hbm>> -> memref<1x4x8x512xf32, #tpu.memory_space<hbm>>
    %dma_wait3A_141 = tpu.memref_squeeze %dma_wait3A_140 : memref<1x4x8x512xf32, #tpu.memory_space<hbm>> -> memref<4x8x512xf32, #tpu.memory_space<hbm>>
    tpu.wait_dma2 semaphore(%dma_wait3A_132 : memref<!tpu.dma_semaphore, #tpu.memory_space<semaphore_mem>>) src(%dma_wait3A_141 : memref<4x8x512xf32, #tpu.memory_space<hbm>>) dst(%dma_wait3A_137 : memref<4x8x512xf32, #tpu.memory_space<vmem>>)
    %jit3A_142 = arith.constant 64 : i32
    %div3A_143 = arith.divsi %mul3A_2, %jit3A_142 : i32
    %sign3A_144 = arith.constant 0 : i32
    %sign3A_145 = arith.cmpi sgt, %mul3A_2, %sign3A_144 : i32
    %sign3A_146 = arith.extui %sign3A_145 : i1 to i32
    %sign3A_147 = arith.constant 0 : i32
    %sign3A_148 = arith.cmpi slt, %mul3A_2, %sign3A_147 : i32
    %sign3A_149 = arith.extui %sign3A_148 : i1 to i32
    %sign3A_150 = arith.subi %sign3A_146, %sign3A_149 : i32
    %sign3A_151 = arith.constant 0 : i32
    %sign3A_152 = arith.cmpi sgt, %jit3A_142, %sign3A_151 : i32
    %sign3A_153 = arith.extui %sign3A_152 : i1 to i32
    %sign3A_154 = arith.constant 0 : i32
    %sign3A_155 = arith.cmpi slt, %jit3A_142, %sign3A_154 : i32
    %sign3A_156 = arith.extui %sign3A_155 : i1 to i32
    %sign3A_157 = arith.subi %sign3A_153, %sign3A_156 : i32
    %ne3A_158 = arith.cmpi ne, %sign3A_150, %sign3A_157 : i32
    %rem3A_159 = arith.remsi %mul3A_2, %jit3A_142 : i32
    %ne3A_160 = arith.constant 0 : i32
    %ne3A_161 = arith.cmpi ne, %rem3A_159, %ne3A_160 : i32
    %and3A_162 = arith.andi %ne3A_158, %ne3A_161 : i1
    %sub3A_163 = arith.constant 1 : i32
    %sub3A_164 = arith.subi %div3A_143, %sub3A_163 : i32
    %select_n3A_165 = arith.select %and3A_162, %sub3A_164, %div3A_143 : i32
    %jit3A_166 = arith.constant 64 : i32
    %eq3A_167 = arith.constant 0 : i32
    %eq3A_168 = arith.cmpi eq, %jit3A_166, %eq3A_167 : i32
    %jit3A_169 = arith.constant 1 : i32
    %select_n3A_170 = arith.select %eq3A_168, %jit3A_169, %jit3A_166 : i32
    %rem3A_171 = arith.remsi %mul3A_2, %select_n3A_170 : i32
    %ne3A_172 = arith.constant 0 : i32
    %ne3A_173 = arith.cmpi ne, %rem3A_171, %ne3A_172 : i32
    %lt3A_174 = arith.constant 0 : i32
    %lt3A_175 = arith.cmpi slt, %rem3A_171, %lt3A_174 : i32
    %lt3A_176 = arith.constant 0 : i32
    %lt3A_177 = arith.cmpi slt, %select_n3A_170, %lt3A_176 : i32
    %ne3A_178 = arith.xori %lt3A_175, %lt3A_177 : i1
    %and3A_179 = arith.andi %ne3A_178, %ne3A_173 : i1
    %add3A_180 = arith.addi %rem3A_171, %select_n3A_170 : i32
    %select_n3A_181 = arith.select %and3A_179, %add3A_180, %rem3A_171 : i32
    %mul3A_182 = arith.constant 8 : i32
    %mul3A_183 = arith.muli %select_n3A_181, %mul3A_182 : i32
    %dma_wait3A_184 = arith.constant 0 : i32
    %dma_wait3A_185 = arith.constant 0 : i32
    %dma_wait3A_186 = arith.constant 0 : i32
    %dma_wait3A_187 = arith.constant 0 : i32
    %dma_wait3A_188 = arith.constant 0 : i32
    %dma_wait3A_189 = tpu.memref_slice %arg11[%dma_wait3A_184, %dma_wait3A_186, %dma_wait3A_187, %dma_wait3A_188] : memref<2x3x8x512xf32, #tpu.memory_space<vmem>> -> memref<1x3x8x512xf32, #tpu.memory_space<vmem>>
    %dma_wait3A_190 = tpu.memref_squeeze %dma_wait3A_189 : memref<1x3x8x512xf32, #tpu.memory_space<vmem>> -> memref<3x8x512xf32, #tpu.memory_space<vmem>>
    %dma_wait3A_191 = arith.constant 0 : i32
    %dma_wait3A_192 = arith.constant 0 : i32
    %dma_wait3A_193 = tpu.memref_slice %arg6[%select_n3A_165, %dma_wait3A_191, %mul3A_183, %dma_wait3A_192] : memref<16x3x512x512xf32, #tpu.memory_space<hbm>> -> memref<1x3x8x512xf32, #tpu.memory_space<hbm>>
    %dma_wait3A_194 = tpu.memref_squeeze %dma_wait3A_193 : memref<1x3x8x512xf32, #tpu.memory_space<hbm>> -> memref<3x8x512xf32, #tpu.memory_space<hbm>>
    %dma_wait3A_195 = tpu.memref_slice %arg13[%dma_wait3A_185] : memref<2x!tpu.dma_semaphore, #tpu.memory_space<semaphore_mem>> -> memref<1x!tpu.dma_semaphore, #tpu.memory_space<semaphore_mem>>
    %dma_wait3A_196 = tpu.memref_squeeze %dma_wait3A_195 : memref<1x!tpu.dma_semaphore, #tpu.memory_space<semaphore_mem>> -> memref<!tpu.dma_semaphore, #tpu.memory_space<semaphore_mem>>
    %dma_wait3A_197 = arith.constant 0 : i32
    %dma_wait3A_198 = arith.constant 0 : i32
    %dma_wait3A_199 = tpu.memref_slice %arg6[%select_n3A_165, %dma_wait3A_197, %mul3A_183, %dma_wait3A_198] : memref<16x3x512x512xf32, #tpu.memory_space<hbm>> -> memref<1x3x8x512xf32, #tpu.memory_space<hbm>>
    %dma_wait3A_200 = tpu.memref_squeeze %dma_wait3A_199 : memref<1x3x8x512xf32, #tpu.memory_space<hbm>> -> memref<3x8x512xf32, #tpu.memory_space<hbm>>
    %dma_wait3A_201 = arith.constant 0 : i32
    %dma_wait3A_202 = arith.constant 0 : i32
    %dma_wait3A_203 = arith.constant 0 : i32
    %dma_wait3A_204 = tpu.memref_slice %arg11[%dma_wait3A_184, %dma_wait3A_201, %dma_wait3A_202, %dma_wait3A_203] : memref<2x3x8x512xf32, #tpu.memory_space<vmem>> -> memref<1x3x8x512xf32, #tpu.memory_space<vmem>>
    %dma_wait3A_205 = tpu.memref_squeeze %dma_wait3A_204 : memref<1x3x8x512xf32, #tpu.memory_space<vmem>> -> memref<3x8x512xf32, #tpu.memory_space<vmem>>
    tpu.wait_dma2 semaphore(%dma_wait3A_196 : memref<!tpu.dma_semaphore, #tpu.memory_space<semaphore_mem>>) src(%dma_wait3A_205 : memref<3x8x512xf32, #tpu.memory_space<vmem>>) dst(%dma_wait3A_200 : memref<3x8x512xf32, #tpu.memory_space<hbm>>)
    %jit3A_206 = arith.constant 64 : i32
    %div3A_207 = arith.divsi %mul3A_2, %jit3A_206 : i32
    %sign3A_208 = arith.constant 0 : i32
    %sign3A_209 = arith.cmpi sgt, %mul3A_2, %sign3A_208 : i32
    %sign3A_210 = arith.extui %sign3A_209 : i1 to i32
    %sign3A_211 = arith.constant 0 : i32
    %sign3A_212 = arith.cmpi slt, %mul3A_2, %sign3A_211 : i32
    %sign3A_213 = arith.extui %sign3A_212 : i1 to i32
    %sign3A_214 = arith.subi %sign3A_210, %sign3A_213 : i32
    %sign3A_215 = arith.constant 0 : i32
    %sign3A_216 = arith.cmpi sgt, %jit3A_206, %sign3A_215 : i32
    %sign3A_217 = arith.extui %sign3A_216 : i1 to i32
    %sign3A_218 = arith.constant 0 : i32
    %sign3A_219 = arith.cmpi slt, %jit3A_206, %sign3A_218 : i32
    %sign3A_220 = arith.extui %sign3A_219 : i1 to i32
    %sign3A_221 = arith.subi %sign3A_217, %sign3A_220 : i32
    %ne3A_222 = arith.cmpi ne, %sign3A_214, %sign3A_221 : i32
    %rem3A_223 = arith.remsi %mul3A_2, %jit3A_206 : i32
    %ne3A_224 = arith.constant 0 : i32
    %ne3A_225 = arith.cmpi ne, %rem3A_223, %ne3A_224 : i32
    %and3A_226 = arith.andi %ne3A_222, %ne3A_225 : i1
    %sub3A_227 = arith.constant 1 : i32
    %sub3A_228 = arith.subi %div3A_207, %sub3A_227 : i32
    %select_n3A_229 = arith.select %and3A_226, %sub3A_228, %div3A_207 : i32
    %jit3A_230 = arith.constant 64 : i32
    %eq3A_231 = arith.constant 0 : i32
    %eq3A_232 = arith.cmpi eq, %jit3A_230, %eq3A_231 : i32
    %jit3A_233 = arith.constant 1 : i32
    %select_n3A_234 = arith.select %eq3A_232, %jit3A_233, %jit3A_230 : i32
    %rem3A_235 = arith.remsi %mul3A_2, %select_n3A_234 : i32
    %ne3A_236 = arith.constant 0 : i32
    %ne3A_237 = arith.cmpi ne, %rem3A_235, %ne3A_236 : i32
    %lt3A_238 = arith.constant 0 : i32
    %lt3A_239 = arith.cmpi slt, %rem3A_235, %lt3A_238 : i32
    %lt3A_240 = arith.constant 0 : i32
    %lt3A_241 = arith.cmpi slt, %select_n3A_234, %lt3A_240 : i32
    %ne3A_242 = arith.xori %lt3A_239, %lt3A_241 : i1
    %and3A_243 = arith.andi %ne3A_242, %ne3A_237 : i1
    %add3A_244 = arith.addi %rem3A_235, %select_n3A_234 : i32
    %select_n3A_245 = arith.select %and3A_243, %add3A_244, %rem3A_235 : i32
    %mul3A_246 = arith.constant 8 : i32
    %mul3A_247 = arith.muli %select_n3A_245, %mul3A_246 : i32
    %dma_wait3A_248 = arith.constant 1 : i32
    %dma_wait3A_249 = arith.constant 1 : i32
    %dma_wait3A_250 = arith.constant 0 : i32
    %dma_wait3A_251 = arith.constant 0 : i32
    %dma_wait3A_252 = arith.constant 0 : i32
    %dma_wait3A_253 = tpu.memref_slice %arg11[%dma_wait3A_248, %dma_wait3A_250, %dma_wait3A_251, %dma_wait3A_252] : memref<2x3x8x512xf32, #tpu.memory_space<vmem>> -> memref<1x3x8x512xf32, #tpu.memory_space<vmem>>
    %dma_wait3A_254 = tpu.memref_squeeze %dma_wait3A_253 : memref<1x3x8x512xf32, #tpu.memory_space<vmem>> -> memref<3x8x512xf32, #tpu.memory_space<vmem>>
    %dma_wait3A_255 = arith.constant 0 : i32
    %dma_wait3A_256 = arith.constant 0 : i32
    %dma_wait3A_257 = tpu.memref_slice %arg6[%select_n3A_229, %dma_wait3A_255, %mul3A_247, %dma_wait3A_256] : memref<16x3x512x512xf32, #tpu.memory_space<hbm>> -> memref<1x3x8x512xf32, #tpu.memory_space<hbm>>
    %dma_wait3A_258 = tpu.memref_squeeze %dma_wait3A_257 : memref<1x3x8x512xf32, #tpu.memory_space<hbm>> -> memref<3x8x512xf32, #tpu.memory_space<hbm>>
    %dma_wait3A_259 = tpu.memref_slice %arg13[%dma_wait3A_249] : memref<2x!tpu.dma_semaphore, #tpu.memory_space<semaphore_mem>> -> memref<1x!tpu.dma_semaphore, #tpu.memory_space<semaphore_mem>>
    %dma_wait3A_260 = tpu.memref_squeeze %dma_wait3A_259 : memref<1x!tpu.dma_semaphore, #tpu.memory_space<semaphore_mem>> -> memref<!tpu.dma_semaphore, #tpu.memory_space<semaphore_mem>>
    %dma_wait3A_261 = arith.constant 0 : i32
    %dma_wait3A_262 = arith.constant 0 : i32
    %dma_wait3A_263 = tpu.memref_slice %arg6[%select_n3A_229, %dma_wait3A_261, %mul3A_247, %dma_wait3A_262] : memref<16x3x512x512xf32, #tpu.memory_space<hbm>> -> memref<1x3x8x512xf32, #tpu.memory_space<hbm>>
    %dma_wait3A_264 = tpu.memref_squeeze %dma_wait3A_263 : memref<1x3x8x512xf32, #tpu.memory_space<hbm>> -> memref<3x8x512xf32, #tpu.memory_space<hbm>>
    %dma_wait3A_265 = arith.constant 0 : i32
    %dma_wait3A_266 = arith.constant 0 : i32
    %dma_wait3A_267 = arith.constant 0 : i32
    %dma_wait3A_268 = tpu.memref_slice %arg11[%dma_wait3A_248, %dma_wait3A_265, %dma_wait3A_266, %dma_wait3A_267] : memref<2x3x8x512xf32, #tpu.memory_space<vmem>> -> memref<1x3x8x512xf32, #tpu.memory_space<vmem>>
    %dma_wait3A_269 = tpu.memref_squeeze %dma_wait3A_268 : memref<1x3x8x512xf32, #tpu.memory_space<vmem>> -> memref<3x8x512xf32, #tpu.memory_space<vmem>>
    tpu.wait_dma2 semaphore(%dma_wait3A_260 : memref<!tpu.dma_semaphore, #tpu.memory_space<semaphore_mem>>) src(%dma_wait3A_269 : memref<3x8x512xf32, #tpu.memory_space<vmem>>) dst(%dma_wait3A_264 : memref<3x8x512xf32, #tpu.memory_space<hbm>>)
    return
  }
}

</mosaic_0001>

<sc_bundles>
// kernel: kernel.3.cloned.1.call-start
scs
__scs_entry_jumppad:
0x0: {  	(pc) =	sbr.rel $0x88, $3  }
0x1: {  	(tag) =	ssettag $0x0;
	lr =	simm.s32 $0x1  }
0x2: {  	[smem:$0x3F9F] =	sst lr;
	_ =	strace $0xD0000000  }
0x3: {  	_ = 	snop  }
0x4: {  	_ = 	snop  }
0x5: {  	_ = 	snop  }
0x6: {  	_ = 	snop  }
0x7: {  	_ = 	snop  }
__scs_overlays_trampoline_lowered:
0x8: {  	[smem:$0x3FAE] =	sst s0  }
0x9: {  	[smem:$0x3FAF] =	sst s1  }
0xa: {  	[smem:$0x3FB0] =	sst s2  }
0xb: {  	[smem:$0x3FB1] =	sst s3  }
0xc: {  	[smem:$0x3FB2] =	sst s4  }
0xd: {  	[smem:$0x3FB3] =	sst s5  }
0xe: {  	[smem:$0x3FB4] =	sst s6  }
0xf: {  	[smem:$0x3FB5] =	sst s7  }
0x10: {  	[smem:$0x3FB6] =	sst s8  }
0x11: {  	[smem:$0x3FB7] =	sst s9;
	s0 =	simm.s32 @!p0 $0x0  }
0x12: {  	s1 =	sld [smem:$0x3F9D];
	s0 =	simm.s32 @p0 $0x1  }
0x13: {  	[smem:$0x3FB8] =	sst s0;
	s0 =	simm.s32 @!p1 $0x0  }
0x14: {  	s2 =	sld [smem:$0x3F9C];
	s0 =	simm.s32 @p1 $0x1  }
0x15: {  	[smem:$0x3FB9] =	sst s0;
	s0 =	simm.s32 @!p2 $0x0  }
0x16: {  	s3 =	sld [smem:$0x3FDB];
	s0 =	simm.s32 @p2 $0x1  }
0x17: {  	s4 =	simm.s32 $0x1BF5;
	[smem:$0x3FBB] =	sst s0  }
0x18: {  	s0 =	sld [smem:$0x3F9E];
	_ =	swait.ge [sflag:s4], $0x0  }
0x19: {  	s7 =	sld [smem:$0x3F9F]  }
0x1a: {  	s8 =	sadd.s32 $0xFFFFE003, lr  }
0x1b: {  	s9 =	sadd.s32 $0xFFFFFEF7, lr;
	s5 =	simm.s32 $0xFFFFFFFF;
	p2 =	slt.u32 s8, $0xFFFFF086  }
0x1c: {  	p1 =	slt.u32 s9, $0xF7A;
	s5 =	simm.s32 @!p2 $0x0  }
0x1d: {  	s5 =	simm.s32 @p1 $0x1;
	p0 =	seq.s32 s7, s2  }
0x1e: {  	s7 =	smul.u32 @!p0 $0xF7A, s2;
	p2 =	seq.s32 @!p0 s5, $0x0  }
0x1f: {  	s9 =	smul.u32 $0xF7A, s1;
	s8 =	simm.s32 @!p0 $0x1BF5;
	p2 =	por !p2, p0  }
0x20: {  	[sflag:s8] =	ssyncset.s32 @!p0 $0xFFFFF086;
	s6 =	sadd.s32 @!p0 s3, s7;
	s7 =	simm.s32 @!p0 $0x108  }
0x21: {  	s3 =	sadd.s32 s3, s9;
	s6 =	sadd.s32 @!p0 $0x88, s6;
	s7 =	simm.s32 @p2 $0x1082  }
0x22: {  	[simem:s7], [sflag:s8] =	dma.local @!p0 [hbm:s6], $0xF7A  }
0x23: {  	s9 =	sor.u32 $0xD0000000, s2;
	s6 =	simm.s32 $0x108;
	_ =	swait.ge @!p0 [sflag:s8], $0x0  }
0x24: {  	s3 =	sadd.s32 $0x88, s3;
	s6 =	simm.s32 @!p1 $0x1082;
	[sflag:s4] =	ssyncset.s32 $0xFFFFF086  }
0x25: {  	[simem:s6], [sflag:s4] =	dma.local [hbm:s3], $0xF7A  }
0x26: {  	[smem:$0x3F9F] =	sst s1;
	(tag) =	ssettag s2;
	_ =	strace s9  }
0x27: {  	s1 =	sld [smem:$0x3FAF]  }
0x28: {  	s2 =	sld [smem:$0x3FB0]  }
0x29: {  	s4 =	sld [smem:$0x3FB2]  }
0x2a: {  	p0 =	seq.s32 s5, $0x0;
	s5 =	sld [smem:$0x3FB3]  }
0x2b: {  	s6 =	sld [smem:$0x3FB4]  }
0x2c: {  	s7 =	sld [smem:$0x3FB5]  }
0x2d: {  	s3 =	simm.s32 $0x108;
	s8 =	sld [smem:$0x3FB6]  }
0x2e: {  	s3 =	simm.s32 @!p0 $0x1082;
	s9 =	sld [smem:$0x3FB7]  }
0x2f: {  	lr =	sadd.s32 s0, s3;
	s0 =	sld [smem:$0x3FAE]  }
0x30: {  	s3 =	sld [smem:$0x3FB1]  }
0x31: {  	[smem:$0x3FBA] =	sst s10  }
0x32: {  	s10 =	sld [smem:$0x3FB8];
	_ =	sdelay $0x3  }
0x33: {  	p0 =	seq.s32 s10, $0x1;
	s10 =	sld [smem:$0x3FBA];
	_ =	sdelay $0x3  }
0x34: {  	[smem:$0x3FBA] =	sst s10  }
0x35: {  	s10 =	sld [smem:$0x3FB9];
	_ =	sdelay $0x3  }
0x36: {  	p1 =	seq.s32 s10, $0x1;
	s10 =	sld [smem:$0x3FBA];
	_ =	sdelay $0x3  }
0x37: {  	[smem:$0x3FBA] =	sst s10  }
0x38: {  	s10 =	sld [smem:$0x3FBB]  }
0x39: {  	_ = 	snop;
	(pc) =	sbr.ind lr, $3  }
0x3a: {  	_ = 	snop  }
0x3b: {  	_ = 	snop  }
0x3c: {  	p2 =	seq.s32 s10, $0x1;
	s10 =	sld [smem:$0x3FBA]  }
0x3d: {  	_ =	shalt  }
0x3e: {  	_ =	shalt  }
0x3f: {  	_ =	shalt  }
0x40: {  	_ =	shalt  }
0x41: {  	_ =	shalt  }
0x42: {  	_ =	shalt  }
0x43: {  	_ =	shalt  }
0x44: {  	_ =	shalt  }
0x45: {  	_ =	shalt  }
0x46: {  	_ =	shalt  }
0x47: {  	_ =	shalt  }
0x48: {  	_ =	shalt  }
0x49: {  	_ =	shalt  }
0x4a: {  	_ =	shalt  }
0x4b: {  	_ =	shalt  }
0x4c: {  	_ =	shalt  }
0x4d: {  	_ =	shalt  }
0x4e: {  	_ =	shalt  }
0x4f: {  	_ =	shalt  }
0x50: {  	_ =	shalt  }
0x51: {  	_ =	shalt  }
0x52: {  	_ =	shalt  }
0x53: {  	_ =	shalt  }
0x54: {  	_ =	shalt  }
0x55: {  	_ =	shalt  }
0x56: {  	_ =	shalt  }
0x57: {  	_ =	shalt  }
0x58: {  	_ =	shalt  }
0x59: {  	_ =	shalt  }
0x5a: {  	_ =	shalt  }
0x5b: {  	_ =	shalt  }
0x5c: {  	_ =	shalt  }
0x5d: {  	_ =	shalt  }
0x5e: {  	_ =	shalt  }
0x5f: {  	_ =	shalt  }
0x60: {  	_ =	shalt  }
0x61: {  	_ =	shalt  }
0x62: {  	_ =	shalt  }
0x63: {  	_ =	shalt  }
0x64: {  	_ =	shalt  }
0x65: {  	_ =	shalt  }
0x66: {  	_ =	shalt  }
0x67: {  	_ =	shalt  }
0x68: {  	_ =	shalt  }
0x69: {  	_ =	shalt  }
0x6a: {  	_ =	shalt  }
0x6b: {  	_ =	shalt  }
0x6c: {  	_ =	shalt  }
0x6d: {  	_ =	shalt  }
0x6e: {  	_ =	shalt  }
0x6f: {  	_ =	shalt  }
0x70: {  	_ =	shalt  }
0x71: {  	_ =	shalt  }
0x72: {  	_ =	shalt  }
0x73: {  	_ =	shalt  }
0x74: {  	_ =	shalt  }
0x75: {  	_ =	shalt  }
0x76: {  	_ =	shalt  }
0x77: {  	_ =	shalt  }
0x78: {  	_ =	shalt  }
0x79: {  	_ =	shalt  }
0x7a: {  	_ =	shalt  }
0x7b: {  	_ =	shalt  }
0x7c: {  	_ =	shalt  }
0x7d: {  	_ =	shalt  }
0x7e: {  	_ =	shalt  }
0x7f: {  	_ =	shalt  }
0x80: {  	_ =	shalt  }
0x81: {  	_ =	shalt  }
0x82: {  	_ =	shalt  }
0x83: {  	_ =	shalt  }
0x84: {  	_ =	shalt  }
0x85: {  	_ =	shalt  }
0x86: {  	_ =	shalt  }
0x87: {  	_ =	shalt  }
.Lfunc_end0:
.L_simem_size_0:
called_computation_lowered:
.L_overlay_start_0:
0x88: {  	s2 =	sld [smem:$0x3FD9]  }
0x89: {  	s3 =	sld [smem:$0x3FFE];
	_ =	sdelay $0x1  }
0x8a: {  	s1 =	srdreg.scid  }
0x8b: {  	s0 =	sand.u32 $0x1, s1  }
0x8c: {  	s17 =	sshll.u32 s0, $0xA;
	s2 =	sadd.s32 s3, s2  }
0x8d: {  	s2 =	sadd.s32 s2, s17  }
0x8e: {  	[smem:$0x3FC6] =	sst s2  }
0x8f: {  	_ = 	snop  }
0x90: {  	s2 =	sld [smem:$0x3FC9]  }
0x91: {  	s18 =	sld [smem:$0x3FD0];
	(tm) =	ssettm $0x1  }
0x92: {  	s4 =	sld [smem:$0x3FFB];
	_ =	sdelay $0x3  }
0x93: {  	_ =	strace s4  }
0x94: {  	s4 =	sld [smem:$0x3FFC];
	_ =	sdelay $0x3  }
0x95: {  	_ =	strace s4  }
0x96: {  	s4 =	sld [smem:$0x3FFD];
	_ =	sdelay $0x3  }
0x97: {  	_ =	strace s4  }
0x98: {  	_ =	strace $0x8FFFFFFF  }
0x99: {  	s19 =	sld [smem:$0x3FDB];
	_ =	sdelay $0x1  }
0x9a: {  	s5 =	simm.s32 $_scs_section_size  }
0x9b: {  	s6 =	simm.s32 $_size__tile_overlayer_lowered;
	s7 =	simm.s32 $_tile_overlayer_lowered  }
0x9c: {  	s22 =	simm.s32 $0x1BFF;
	s21 =	sshll.u32 s7, $0x1;
	s4 =	sadd.s32 s5, s19  }
0x9d: {  	s8 =	simm.s32 $0x0;
	s20 =	sshll.u32 s6, $0x1;
	s6 =	sadd.s32 s21, s4  }
0x9e: {  	[timem:s8], [sflag:s22] =	dma.local [hbm:s6], s20  }
0x9f: {  	_ =	swait.ge [sflag:s22], s20  }
0xa0: {  	s5 =	ssub.s32 $0x0, s20;
	[sflag:s22] =	ssyncset.done $0x0  }
0xa1: {  	[sflag:s22] =	ssyncadd.s32 s5;
	_ =	sdelay $0x1  }
0xa2: {  	s23 =	simm.s32 $0x1B8B  }
0xa3: {  	_ =	swait.ge [sflag:s23], $0x1  }
0xa4: {  	[sflag:s23] =	ssyncset.done $0x0  }
0xa5: {  	s25 =	simm.s32 $0x1B8E;
	s24 =	sld [smem:$0x3FFE];
	[sflag:s23] =	ssyncadd.s32 $0xFFFFFFFF  }
0xa6: {  	s26 =	simm.s32 $execute0_lowered;
	[smem:$0x3FD2] =	sst s25  }
0xa7: {  	s6 =	sshll.u32 s26, $0x1;
	_ =	strace $0x80000046;
	[dreg:$0x1] =	wrdreg $0xFFFFFFFF  }
0xa8: {  	s28 =	simm.s32 $_size_execute0_lowered;
	s4 =	sadd.s32 s4, s6;
	[dreg:$0x0] =	wrdreg $0x0  }
0xa9: {  	s6 =	sshll.u32 s28, $0x1;
	[dreg:$0x2] =	wrdreg s4  }
0xaa: {  	[dreg:$0x3] =	wrdreg s6  }
0xab: {  	[dreg:$0x4] =	wrdreg $0xC0  }
0xac: {  	_ =	task [dreg:s8], $0x5FFFF  }
0xad: {  	[dreg:$0x1] =	wrdreg $0xFFFFFFFF  }
0xae: {  	[dreg:$0x0] =	wrdreg $0x60  }
0xaf: {  	[dreg:$0x2] =	wrdreg s2  }
0xb0: {  	[dreg:$0x3] =	wrdreg s24  }
0xb1: {  	[dreg:$0x4] =	wrdreg s18  }
0xb2: {  	[dreg:$0x5] =	wrdreg $0x9  }
0xb3: {  	_ =	task.clear_ibuf [dreg:s8], $0x6FFFF;
	_ =	strace $0x90000046  }
0xb4: {  	s29 =	simm.s32 $0x9;
	_ =	strace $0x80000048  }
0xb5: {  	_ =	swait.ge [sflag:s29], $0x1  }
0xb6: {  	[sflag:s29] =	ssyncadd.s32 $0xFFFFFFFF  }
0xb7: {  	_ =	strace $0x90000048  }
0xb8: {  	_ =	sfence  }
0xb9: {  	s30 =	sld [smem:$0x0];
	_ =	sdelay $0x2  }
0xba: {  	s31 =	sshll.u32 s1, $0xD;
	s1 =	sshrl.u32 s1, $0x2  }
0xbb: {  	s3 =	sand.u32 $0x4000, s31;
	s1 =	sadd.s32 s1, s30  }
0xbc: {  	s0 =	sor.u32 s3, s0;
	s1 =	sshll.u32 s1, $0x11  }
0xbd: {  	s0 =	sor.u32 s1, s0  }
0xbe: {  	s0 =	sadd.s32 $0x8F2B, s0  }
0xbf: {  	[sflag:s0] =	ssyncadd.remote.s32 $0x1  }
0xc0: {  	_ =	sfence.sel $0xFFFF  }
0xc1: {  	[dreg:$0x0] =	wrdreg $0xFFFFFFFF;
	(pc) =	sbr.abs _section_cstart, $3  }
0xc2: {  	[dreg:$0x1] =	wrdreg $0xFFFFFFFF  }
0xc3: {  	_ =	task.clear_ibuf [dreg:s8], $0x2FFFF;
	_ =	strace $0x9FFFFFFF  }
0xc4: {  	(tm) =	ssettm $0x7FFFFFFF  }
0xc5: {  	_ =	shalt  }
tec
execute0_lowered:
.L_overlay_start_1:
0x0: {  	(tag) =	ssettag $0x1  }
0x1: {  	s1 =	rddreg [dreg:$0x0]  }
0x2: {  	s0 =	srdreg.scid;
	s5 =	rddreg [dreg:$0x1]  }
0x3: {  	s9 =	stileid.u32;
	s3 =	rddreg [dreg:$0x2];
	s4 =	simm.s32 $0x0  }
0x4: {  	s13 =	simm.s32 $0x1000;
	s14 =	simm.s32 $0x40000;
	s16 =	simm.s32 $0x2680  }
0x5: {  	s17 =	simm.s32 $0x4D00;
	s18 =	simm.s32 $0x3;
	s0 =	sand.u32 $0x1, s0  }
0x6: {  	s19 =	simm.s32 $0x4;
	s20 =	simm.s32 $0x0;
	s2 =	sor.u32 s0, s9  }
0x7: {  	[smem:$0x7FF] =	sst s4;
	p1 =	seq.s32 s0, $0x1;
	p0 =	seq.s32 s2, $0x0  }
0x8: {  	s6 =	sadd.s32 $0xC00, s5;
	s5 =	sadd.s32 $0x600, s5;
	p0 =	por !p0, !p1  }
0x9: {  	s30 =	sshll.u32 s9, $0x11;
	s2 =	simm.s32 $0x1;
	p0 =	por !p0, !p0  }
0xa: {  	s11 =	smul.u32 $0xC0000, s9;
	_ =	strace $0x80000047;
	s2 =	simm.s32 @!p0 $0x0  }
0xb: {  	[dreg:$0x4] =	wrdreg s6;
	s26 =	ssub.s32 $0x2, s0;
	s2 =	ssub.s32 s9, s2  }
0xc: {  	s8 =	sshll.u32 s0, $0x11;
	s28 =	sshrl.u32 s26, $0x1;
	s2 =	sshll.u32 s2, $0x14  }
0xd: {  	[dreg:$0x5] =	wrdreg s5;
	s5 =	ssub.s32 s26, s28;
	s29 =	sor.u32 s8, s2  }
0xe: {  	s7 =	sshll.u32 s0, $0x5;
	s31 =	smax.u32 s5, $0x1;
	s0 =	sshrl.u32 s29, $0x3  }
0xf: {  	s10 =	sadd.s32 s1, s30;
	[dreg:$0x7] =	wrdreg s31;
	s0 =	sadd.s32 s1, s0  }
0x10: {  	s26 =	simm.s32 $0x0;
	s8 =	simm.s32 $0x1;
	[dreg:$0x6] =	wrdreg s0  }
.LBB2_1:
0x11: {  	s0 =	rddreg [dreg:$0x6];
	s1 =	simm.s32 $0x7380  }
0x12: {  	[tilespmem:s1], [sflag:$0x1] =	stream.strided.gather [hbm4b:s0+s13], $0x4000, s14, s13, $0x38;
	[tilespmem:$0x15380] =	vst v63  }
0x13: {  	s29 =	rddreg [dreg:$0x1]  }
0x14: {  	[tilespmem:s4], [sflag:$0x3] =	stream.linear.gather [hbm4b:s29+s4], $0x2680, $0x38;
	[tilespmem:$0x15380] =	vst v63  }
0x15: {  	s30 =	rddreg [dreg:$0x4]  }
0x16: {  	[tilespmem:s16], [sflag:$0x3] =	stream.linear.gather [hbm4b:s30+s4], $0x2680, $0x38;
	[tilespmem:$0x15380] =	vst v63  }
0x17: {  	s31 =	rddreg [dreg:$0x5]  }
0x18: {  	[tilespmem:s17], [sflag:$0x3] =	stream.linear.gather [hbm4b:s31+s4], $0x2680, $0x38;
	[tilespmem:$0x15380] =	vst v63  }
0x19: {  	_ =	swait.ge [sflag:s18], $0x2680  }
0x1a: {  	[sflag:s18] =	ssyncset.done $0x0  }
0x1b: {  	[sflag:s18] =	ssyncadd.s32 $0xFFFFD980  }
0x1c: {  	_ =	swait.ge [sflag:s18], $0x2680  }
0x1d: {  	[sflag:s18] =	ssyncset.done $0x0  }
0x1e: {  	[sflag:s18] =	ssyncadd.s32 $0xFFFFD980  }
0x1f: {  	_ =	swait.ge [sflag:s18], $0x2680  }
0x20: {  	[sflag:s18] =	ssyncset.done $0x0  }
0x21: {  	s21 =	simm.s32 $0x0;
	[sflag:s18] =	ssyncadd.s32 $0xFFFFD980  }
.LBB2_2:
0x22: {  	s0 =	smov.u32 s21;
	s21 =	sadd.s32 $0x1, s21  }
0x23: {  	s22 =	sand.u32 $0x1, s0;
	s1 =	smin.u32 s21, $0x1F  }
0x24: {  	s1 =	sor.u32 s7, s1;
	s2 =	sxor.u32 $0x1, s22  }
0x25: {  	s25 =	sadd.s32 $0x1, s22;
	s1 =	sshll.u32 s1, $0x9;
	s5 =	sshll.u32 s2, $0xE  }
0x26: {  	s2 =	sadd.s32 $0x1, s2;
	s5 =	sadd.s32 $0x7380, s5;
	s1 =	sadd.s32 s1, s10  }
0x27: {  	[tilespmem:s5], [sflag:s2] =	stream.strided.gather [hbm4b:s1+s13], $0x4000, s14, s13, $0x38;
	[tilespmem:$0x15380] =	vst v63  }
0x28: {  	_ =	swait.ge [sflag:s25], $0x4000  }
0x29: {  	p0 =	slt.u32 s0, $0x2;
	s29 =	smul.u32 $0xC000, s22;
	[sflag:s25] =	ssyncset.done $0x0  }
0x2a: {  	s28 =	simm.s32 $0x0;
	s1 =	sadd.s32 @!p0 $0x3, s22;
	[sflag:s25] =	ssyncadd.s32 $0xFFFFC000  }
0x2b: {  	s30 =	sshll.u32 s22, $0xE;
	s2 =	sshrl.u32 s29, $0x2;
	_ =	swait.ge @!p0 [sflag:s1], $0x3000  }
0x2c: {  	s31 =	sadd.s32 $0x7380, s30;
	s24 =	sadd.s32 $0xF380, s2;
	[sflag:s1] =	ssyncset.done @!p0 $0x0  }
0x2d: {  	s23 =	sadd.s32 s7, s0;
	v0 =	vmov s31;
	v1 =	vmov s24;
	s25 =	sadd.s32 $0xA380, s30;
	[sflag:s1] =	ssyncadd.s32 @!p0 $0xFFFFD000  }
.LBB2_3:
0x2e: {  	s1 =	sshll.u32 s28, $0x7;
	s2 =	sand.u32 $0xC00, s26  }
0x2f: {  	s5 =	sand.u32 $0x70, s26;
	s0 =	sor.u32 s1, s2  }
0x30: {  	s30 =	sor.u32 s5, s0  }
0x31: {  	s0 =	sadd.s32 s1, s25;
	s29 =	sor.u32 $0x1000, s30  }
0x32: {  	s31 =	sor.u32 $0x2000, s30;
	s2 =	sadd.s32 s2, s0;
	v2 =	vld.idx.msk [tilespmem:v0+s29+$0x0 ss:$0x1], $0xffff  }
0x33: {  	v3 =	vld.idx.msk [tilespmem:v0+s31+$0x0 ss:$0x1], $0xffff;
	s2 =	sadd.s32 s5, s2  }
0x34: {  	v4 =	vld [tilespmem:s2+$0x0];
	_ =	sdelay $0x3  }
0x35: {  	v5 =	vmul.f32 $1.599998380e+01, v2;
	v6 =	vmul.f32 $1.599998380e+01, v3  }
0x36: {  	v4 =	vmul.f32 $1.599998380e+01, v4  }
0x37: {  	v2 =	vtrunc.f32 v5;
	v3 =	vtrunc.f32 v6  }
0x38: {  	v7 =	vcvt.f32.s32 v2;
	v11 =	vcvt.f32.s32 v3;
	_ =	sdelay $0x1  }
0x39: {  	v8 =	vtrunc.f32 v4;
	v2 =	vmul.u32 $0x121, v7;
	v3 =	vmul.u32 $0x11, v11  }
0x3a: {  	v12 =	vcvt.f32.s32 v8  }
0x3b: {  	v2 =	vadd.s32 v2, v3  }
0x3c: {  	v9 =	vadd.s32 v12, v2;
	_ =	sdelay $0x2  }
0x3d: {  	v13 =	vadd.s32 $0x1331, v9  }
0x3e: {  	v7 =	vcvt.s32.f32 v7  }
0x3f: {  	v3 =	vadd.s32 $0x1463, v9;
	v18 =	vld.idx.msk [tilespmem:v9+s4+$0x0], $0xffff  }
0x40: {  	v28 =	vsub.f32 v5, v7;
	v2 =	vadd.s32 $0x1464, v9;
	v7 =	vld.idx.msk [tilespmem:v9+s16+$0x0], $0xffff  }
0x41: {  	v16 =	vadd.s32 $0x1, v9;
	v25 =	vld.idx.msk [tilespmem:v9+s17+$0x0], $0xffff  }
0x42: {  	v22 =	vld.idx.msk [tilespmem:v13+s4+$0x0], $0xffff  }
0x43: {  	v14 =	vadd.s32 $0x1332, v9;
	v19 =	vld.idx.msk [tilespmem:v13+s16+$0x0], $0xffff  }
0x44: {  	v8 =	vld.idx.msk [tilespmem:v3+s17+$0x0], $0xffff  }
0x45: {  	v10 =	vld.idx.msk [tilespmem:v2+s17+$0x0], $0xffff  }
0x46: {  	v11 =	vcvt.s32.f32 v11;
	v17 =	vadd.s32 $0x11, v9;
	v20 =	vld.idx.msk [tilespmem:v16+s16+$0x0], $0xffff  }
0x47: {  	v12 =	vcvt.s32.f32 v12;
	v21 =	vld.idx.msk [tilespmem:v16+s17+$0x0], $0xffff  }
0x48: {  	v31 =	vsub.f32 v6, v11;
	v23 =	vld.idx.msk [tilespmem:v14+s4+$0x0], $0xffff  }
0x49: {  	v5 =	vadd.s32 $0x1342, v9;
	v11 =	vsub.f32 v4, v12;
	v24 =	vld.idx.msk [tilespmem:v14+s16+$0x0], $0xffff  }
0x4a: {  	v4 =	vsub.f32 $1.000000000e+00, v28;
	v12 =	vsub.f32 $1.000000000e+00, v31;
	v6 =	vld.idx.msk [tilespmem:v14+s17+$0x0], $0xffff  }
0x4b: {  	v26 =	vld.idx.msk [tilespmem:v17+s4+$0x0], $0xffff  }
0x4c: {  	v15 =	vsub.f32 $1.000000000e+00, v11;
	v14 =	vmul.f32 v12, v4;
	v27 =	vld.idx.msk [tilespmem:v17+s16+$0x0], $0xffff  }
0x4d: {  	v29 =	vadd.s32 $0x12, v9;
	v30 =	vmul.f32 v31, v4;
	v32 =	vld.idx.msk [tilespmem:v17+s17+$0x0], $0xffff  }
0x4e: {  	v17 =	vmul.f32 v12, v28;
	v33 =	vld.idx.msk [tilespmem:v5+s4+$0x0], $0xffff;
	v12 =	vmul.f32 v15, v14  }
0x4f: {  	v4 =	vmul.f32 v11, v30;
	v35 =	vld.idx.msk [tilespmem:v13+s17+$0x0], $0xffff;
	v34 =	vmul.f32 v14, v11  }
0x50: {  	v42 =	vadd.s32 $0x121, v9;
	v37 =	vld.idx.msk [tilespmem:v5+s17+$0x0], $0xffff;
	v13 =	vmul.f32 v15, v17;
	v43 =	vmul.f32 v12, v18  }
0x51: {  	v41 =	vld.idx.msk [tilespmem:v16+s4+$0x0], $0xffff;
	v14 =	vadd.s32 $0x1343, v9;
	v45 =	vmul.f32 v12, v7;
	v25 =	vmul.f32 v12, v25  }
0x52: {  	v39 =	vld.idx.msk [tilespmem:v29+s4+$0x0], $0xffff;
	v36 =	vmul.f32 v12, v19;
	v38 =	vmul.f32 v20, v34  }
0x53: {  	v44 =	vld.idx.msk [tilespmem:v29+s17+$0x0], $0xffff;
	v19 =	vmul.f32 v21, v34;
	v40 =	vmul.f32 v24, v34  }
0x54: {  	v49 =	vadd.s32 $0x1452, v9;
	v48 =	vld.idx.msk [tilespmem:v29+s16+$0x0], $0xffff;
	v20 =	vmul.f32 v6, v34;
	v6 =	vmul.f32 v15, v30  }
0x55: {  	v30 =	vmul.f32 v35, v12;
	v18 =	vmul.f32 v23, v34;
	v24 =	vld.idx.msk [tilespmem:v42+s4+$0x0], $0xffff  }
0x56: {  	v34 =	vmul.f32 v41, v34;
	v22 =	vmul.f32 v12, v22;
	v46 =	vld.idx.msk [tilespmem:v14+s16+$0x0], $0xffff  }
0x57: {  	v47 =	vmul.f32 v26, v6;
	v21 =	vmul.f32 v27, v6;
	v63 =	vld.idx.msk [tilespmem:v14+s17+$0x0], $0xffff  }
0x58: {  	v35 =	vld.idx.msk [tilespmem:v42+s16+$0x0], $0xffff;
	v26 =	vmul.f32 v32, v6;
	v16 =	vmul.f32 v33, v6;
	v7 =	vadd.f32 v40, v36  }
0x59: {  	v41 =	vld.idx.msk [tilespmem:v49+s16+$0x0], $0xffff;
	v29 =	vmul.f32 v37, v6;
	v23 =	vadd.f32 v38, v45;
	v38 =	vadd.s32 $0x122, v9  }
0x5a: {  	v27 =	vmul.f32 v39, v4;
	v32 =	vmul.f32 v31, v28;
	v39 =	vld.idx.msk [tilespmem:v42+s17+$0x0], $0xffff;
	v28 =	vadd.f32 v34, v43  }
0x5b: {  	v31 =	vmul.f32 v44, v4;
	v40 =	vld.idx.msk [tilespmem:v49+s4+$0x0], $0xffff;
	v37 =	vmul.f32 v48, v4;
	v36 =	vadd.s32 $0x1453, v9  }
0x5c: {  	s15 =	simm.s32 $0x10;
	s2 =	simm.s32 $0x80;
	v34 =	vld.idx.msk [tilespmem:v49+s17+$0x0], $0xffff;
	v28 =	vadd.f32 v47, v28;
	v12 =	vmul.f32 v46, v4;
	v33 =	vmul.f32 v63, v4  }
.LBB2_4:
0x5d: {  	s5 =	sand.u32 $0xC00, s2  }
0x5e: {  	p0 =	sne.s32 s15, $0x1F0;
	v42 =	vld.idx.msk [tilespmem:v38+s4+$0x0], $0xffff;
	s6 =	smov.u32 s15;
	s15 =	sadd.s32 $0x10, s15  }
0x5f: {  	s6 =	sand.u32 $0x70, s6;
	s9 =	sor.u32 s1, s5;
	s5 =	sadd.s32 s5, s0;
	v28 =	vadd.f32 v27, v28;
	v43 =	vld.idx.msk [tilespmem:v38+s16+$0x0], $0xffff  }
0x60: {  	v39 =	vmul.f32 v39, v13;
	s9 =	sor.u32 s6, s9;
	s12 =	sadd.s32 s6, s5;
	v38 =	vld.idx.msk [tilespmem:v38+s17+$0x0], $0xffff  }
0x61: {  	v21 =	vadd.f32 v21, v23;
	v44 =	vadd.s32 $0x132, v9;
	v27 =	vmul.f32 v40, v13;
	s5 =	sor.u32 $0x1000, s9;
	v40 =	vld.idx.msk [tilespmem:v36+s4+$0x0], $0xffff  }
0x62: {  	v17 =	vmul.f32 v17, v11;
	v9 =	vadd.s32 $0x133, v9;
	s6 =	sor.u32 $0x2000, s9;
	v23 =	vmul.f32 v41, v13;
	v45 =	vld.idx.msk [tilespmem:v0+s5+$0x0 ss:$0x1], $0xffff  }
0x63: {  	v35 =	vmul.f32 v35, v13;
	v37 =	vadd.f32 v37, v21;
	v21 =	vmul.f32 v11, v32;
	v41 =	vld.idx.msk [tilespmem:v0+s6+$0x0 ss:$0x1], $0xffff  }
0x64: {  	v11 =	vadd.f32 v19, v25;
	v19 =	vmul.f32 v15, v32;
	v25 =	vmul.f32 v42, v17;
	v42 =	vld.idx.msk [tilespmem:v36+s16+$0x0], $0xffff  }
0x65: {  	v15 =	vadd.f32 v20, v30;
	v20 =	vadd.f32 v35, v37;
	v30 =	vmul.f32 v43, v17;
	v32 =	vld.idx.msk [tilespmem:v36+s17+$0x0], $0xffff  }
0x66: {  	v11 =	vadd.f32 v26, v11;
	v10 =	vmul.f32 v10, v21;
	v26 =	vmul.f32 v38, v17;
	v35 =	vld.idx.msk [tilespmem:v44+s4+$0x0], $0xffff  }
0x67: {  	v15 =	vadd.f32 v29, v15;
	v8 =	vmul.f32 v8, v19;
	v29 =	vadd.f32 v30, v20;
	v36 =	vld [tilespmem:s12+$0x0]  }
0x68: {  	v11 =	vadd.f32 v31, v11;
	v31 =	vmul.f32 v34, v13;
	v30 =	vmul.f32 $1.599998380e+01, v45;
	v34 =	vld.idx.msk [tilespmem:v44+s16+$0x0], $0xffff  }
0x69: {  	v15 =	vadd.f32 v33, v15;
	v13 =	vmul.f32 v24, v13;
	v37 =	vmul.f32 $1.599998380e+01, v41;
	v24 =	vld.idx.msk [tilespmem:v44+s17+$0x0], $0xffff  }
0x6a: {  	v11 =	vadd.f32 v39, v11;
	v33 =	vtrunc.f32 v30;
	v20 =	vmul.f32 v42, v17;
	v38 =	vld.idx.msk [tilespmem:v9+s17+$0x0], $0xffff  }
0x6b: {  	v15 =	vadd.f32 v31, v15;
	v39 =	vtrunc.f32 v37;
	v31 =	vmul.f32 v32, v17;
	v41 =	vld.idx.msk [tilespmem:v0+s30+$0x0 ss:$0x1], $0xffff  }
0x6c: {  	v32 =	vcvt.f32.s32 v33;
	v33 =	vcvt.f32.s32 v39;
	v39 =	vadd.f32 v18, v22  }
0x6d: {  	v11 =	vadd.f32 v26, v11;
	v26 =	vmul.f32 v35, v19;
	v15 =	vadd.f32 v31, v15  }
0x6e: {  	v31 =	vmul.f32 $1.599998380e+01, v36;
	v18 =	vmul.u32 $0x121, v32;
	v22 =	vmul.u32 $0x11, v33  }
0x6f: {  	v34 =	vmul.f32 v34, v19;
	v24 =	vmul.f32 v24, v19;
	v8 =	vadd.f32 v8, v15  }
0x70: {  	v32 =	vcvt.s32.f32 v32;
	v15 =	vtrunc.f32 v31;
	v35 =	vadd.s32 v18, v22;
	v36 =	vld.idx.msk [tilespmem:v9+s16+$0x0], $0xffff  }
0x71: {  	v15 =	vcvt.f32.s32 v15;
	v18 =	vmul.f32 $9.999989860e-01, v41;
	v24 =	vadd.f32 v24, v11;
	v41 =	vld.idx.msk [tilespmem:v9+s4+$0x0], $0xffff  }
0x72: {  	v22 =	vsub.f32 v30, v32;
	v8 =	vadd.f32 v10, v8;
	v30 =	vld.idx.msk [tilespmem:v3+s16+$0x0], $0xffff  }
0x73: {  	v10 =	vcvt.s32.f32 v15;
	v9 =	vadd.s32 v15, v35;
	v32 =	vsub.f32 $1.000000000e+00, v18;
	v14 =	vld.idx.msk [tilespmem:v14+s4+$0x0], $0xffff  }
0x74: {  	v35 =	vadd.s32 $0x1331, v9;
	v15 =	vld.idx.msk [tilespmem:v3+s4+$0x0], $0xffff  }
0x75: {  	v11 =	vsub.f32 v31, v10;
	v10 =	vadd.f32 v16, v39;
	v31 =	vmul.f32 v8, v18;
	v16 =	vld.idx.msk [tilespmem:v2+s16+$0x0], $0xffff  }
0x76: {  	v8 =	vcvt.s32.f32 v33;
	v3 =	vadd.s32 $0x1463, v9;
	v33 =	vmul.f32 v36, v21;
	v36 =	vld.idx.msk [tilespmem:v2+s4+$0x0], $0xffff  }
0x77: {  	v29 =	vadd.f32 v34, v29;
	v39 =	vadd.s32 $0x1, v9;
	v2 =	vadd.s32 $0x1464, v9;
	v5 =	vld.idx.msk [tilespmem:v5+s16+$0x0], $0xffff  }
0x78: {  	v38 =	vmul.f32 v38, v21;
	v34 =	vsub.f32 v37, v8;
	v37 =	vsub.f32 $1.000000000e+00, v22;
	v42 =	vld.idx.msk [tilespmem:v9+s4+$0x0], $0xffff  }
0x79: {  	v44 =	vadd.s32 $0x1332, v9;
	v4 =	vmul.f32 v14, v4;
	v14 =	vmul.f32 v41, v21;
	v43 =	vld.idx.msk [tilespmem:v35+s4+$0x0], $0xffff  }
0x7a: {  	v46 =	vmul.f32 v34, v37;
	v41 =	vsub.f32 $1.000000000e+00, v34;
	v47 =	vmul.f32 v15, v19;
	v45 =	vld.idx.msk [tilespmem:v35+s16+$0x0], $0xffff  }
0x7b: {  	v13 =	vadd.f32 v13, v28;
	v28 =	vmul.f32 v40, v17;
	v48 =	vadd.f32 v4, v10;
	v8 =	vld.idx.msk [tilespmem:v3+s17+$0x0], $0xffff  }
0x7c: {  	v15 =	vsub.f32 $1.000000000e+00, v11;
	v37 =	vmul.f32 v41, v37;
	v4 =	vmul.f32 v11, v46;
	v10 =	vld.idx.msk [tilespmem:v2+s17+$0x0], $0xffff  }
0x7d: {  	v17 =	vmul.f32 v41, v22;
	v5 =	vmul.f32 v5, v6;
	v6 =	vadd.f32 v27, v48;
	v40 =	vld.idx.msk [tilespmem:v39+s16+$0x0], $0xffff  }
0x7e: {  	v25 =	vadd.f32 v25, v13;
	v36 =	vmul.f32 v36, v21;
	v41 =	vmul.f32 v15, v37;
	v27 =	vld.idx.msk [tilespmem:v39+s17+$0x0], $0xffff  }
0x7f: {  	v49 =	vadd.s32 $0x11, v9;
	v5 =	vadd.f32 v5, v7;
	v6 =	vadd.f32 v28, v6;
	v48 =	vld.idx.msk [tilespmem:v44+s4+$0x0], $0xffff  }
0x80: {  	v25 =	vadd.f32 v26, v25;
	v13 =	vmul.f32 v15, v17;
	v7 =	vmul.f32 v41, v45;
	v28 =	vld.idx.msk [tilespmem:v44+s16+$0x0], $0xffff  }
0x81: {  	v37 =	vmul.f32 v37, v11;
	v12 =	vadd.f32 v12, v5;
	v6 =	vadd.f32 v47, v6;
	v26 =	vld.idx.msk [tilespmem:v44+s17+$0x0], $0xffff  }
0x82: {  	v29 =	vadd.f32 v33, v29;
	v14 =	vadd.f32 v14, v25;
	v5 =	vadd.s32 $0x1342, v9;
	v44 =	vld.idx.msk [tilespmem:v9+s16+$0x0], $0xffff  }
0x83: {  	v33 =	vmul.f32 v40, v37;
	v12 =	vadd.f32 v23, v12;
	v6 =	vadd.f32 v36, v6;
	v25 =	vld.idx.msk [tilespmem:v9+s17+$0x0], $0xffff  }
0x84: {  	v30 =	vmul.f32 v30, v19;
	v14 =	vmul.f32 v14, v32;
	v23 =	vld.idx.msk [tilespmem:v49+s4+$0x0], $0xffff  }
0x85: {  	v36 =	vadd.s32 $0x12, v9;
	v19 =	vmul.f32 v27, v37;
	v40 =	vmul.f32 v6, v18;
	v27 =	vld.idx.msk [tilespmem:v49+s16+$0x0], $0xffff  }
0x86: {  	v16 =	vmul.f32 v16, v21;
	v12 =	vadd.f32 v20, v12;
	v28 =	vmul.f32 v28, v37;
	v45 =	vld.idx.msk [tilespmem:v49+s17+$0x0], $0xffff  }
0x87: {  	v6 =	vmul.f32 v15, v46;
	v20 =	vmul.f32 v26, v37;
	v40 =	vadd.f32 v40, v14;
	v46 =	vld.idx.msk [tilespmem:v5+s4+$0x0], $0xffff  }
0x88: {  	v21 =	vadd.f32 v38, v24;
	v42 =	vmul.f32 v41, v42;
	v14 =	vadd.s32 $0x1343, v9;
	v35 =	vld.idx.msk [tilespmem:v35+s17+$0x0], $0xffff  }
0x89: {  	v24 =	vmul.f32 v41, v44;
	v7 =	vadd.f32 v28, v7;
	v25 =	vmul.f32 v41, v25;
	v28 =	vld.idx.msk [tilespmem:v5+s17+$0x0], $0xffff  }
0x8a: {  	v12 =	vadd.f32 v30, v12;
	v30 =	vmul.f32 v21, v32;
	v44 =	vmul.f32 v23, v6;
	v38 =	vld.idx.msk [tilespmem:v36+s4+$0x0], $0xffff  }
0x8b: {  	v47 =	vadd.s32 $0x121, v9;
	v49 =	vmul.f32 v29, v32;
	v21 =	vmul.f32 v27, v6;
	v39 =	vld.idx.msk [tilespmem:v39+s4+$0x0], $0xffff  }
0x8c: {  	v12 =	vadd.f32 v16, v12;
	v26 =	vmul.f32 v45, v6;
	v45 =	vld.idx.msk [tilespmem:v36+s17+$0x0], $0xffff;
	[tilespmem:v1+s30+$0x0 ss:$0x1] =	vst.idx.msk $0xffff, v40;
	s30 =	smov.u32 s9  }
0x8d: {  	v23 =	vadd.f32 v33, v24;
	v24 =	vadd.f32 v31, v30;
	v16 =	vmul.f32 v46, v6;
	v33 =	vld.idx.msk [tilespmem:v14+s16+$0x0], $0xffff  }
0x8e: {  	v12 =	vmul.f32 v12, v18;
	v46 =	vadd.s32 $0x1452, v9;
	v30 =	vmul.f32 v35, v41;
	v36 =	vld.idx.msk [tilespmem:v36+s16+$0x0], $0xffff  }
0x8f: {  	v18 =	vmul.f32 v48, v37;
	v29 =	vmul.f32 v28, v6;
	v48 =	vld.idx.msk [tilespmem:v14+s17+$0x0], $0xffff;
	[tilespmem:v1+s31+$0x0 ss:$0x1] =	vst.idx.msk $0xffff, v24;
	s31 =	smov.u32 s6  }
0x90: {  	v32 =	vmul.f32 v34, v22;
	v12 =	vadd.f32 v12, v49;
	v27 =	vmul.f32 v38, v4;
	v24 =	vld.idx.msk [tilespmem:v47+s4+$0x0], $0xffff  }
.Ltmp0:
0x91: {  	v22 =	vmul.f32 v41, v43;
	v38 =	vadd.s32 $0x122, v9;
	v28 =	vmul.f32 v39, v37;
	v35 =	vld.idx.msk [tilespmem:v47+s16+$0x0], $0xffff;
	(pc) =	sbr.rel @p0 .LBB2_4-.Ltmp0, $4  }
0x92: {  	v31 =	vmul.f32 v45, v4;
	v39 =	vld.idx.msk [tilespmem:v47+s17+$0x0], $0xffff;
	[tilespmem:v1+s29+$0x0 ss:$0x1] =	vst.idx.msk $0xffff, v12;
	s29 =	smov.u32 s5  }
0x93: {  	v28 =	vadd.f32 v28, v42;
	v40 =	vld.idx.msk [tilespmem:v46+s4+$0x0], $0xffff  }
0x94: {  	v12 =	vmul.f32 v33, v4;
	v37 =	vmul.f32 v36, v4;
	v36 =	vadd.s32 $0x1453, v9;
	v41 =	vld.idx.msk [tilespmem:v46+s16+$0x0], $0xffff  }
0x95: {  	s2 =	sadd.s32 $0x80, s2;
	v28 =	vadd.f32 v44, v28;
	v33 =	vmul.f32 v48, v4;
	v34 =	vld.idx.msk [tilespmem:v46+s17+$0x0], $0xffff  }
0x96: {  	_ =	sdelay $0x3  }
0x97: {  	v42 =	vld.idx.msk [tilespmem:v38+s4+$0x0], $0xffff  }
0x98: {  	v54 =	vld.idx.msk [tilespmem:v38+s16+$0x0], $0xffff  }
0x99: {  	v55 =	vld.idx.msk [tilespmem:v38+s17+$0x0], $0xffff  }
0x9a: {  	v56 =	vld.idx.msk [tilespmem:v36+s4+$0x0], $0xffff  }
0x9b: {  	v43 =	vadd.s32 $0x132, v9;
	v21 =	vadd.f32 v21, v23;
	v58 =	vld.idx.msk [tilespmem:v36+s16+$0x0], $0xffff  }
0x9c: {  	v17 =	vmul.f32 v17, v11;
	v57 =	vadd.s32 $0x133, v9;
	v35 =	vmul.f32 v35, v13;
	v60 =	vld.idx.msk [tilespmem:v36+s17+$0x0], $0xffff  }
0x9d: {  	v19 =	vadd.f32 v19, v25;
	v20 =	vadd.f32 v20, v30;
	v11 =	vmul.f32 v11, v32;
	v14 =	vld.idx.msk [tilespmem:v14+s4+$0x0], $0xffff  }
0x9e: {  	v15 =	vmul.f32 v15, v32;
	v5 =	vld.idx.msk [tilespmem:v5+s16+$0x0], $0xffff;
	v18 =	vadd.f32 v18, v22;
	v27 =	vadd.f32 v27, v28  }
0x9f: {  	v44 =	vld.idx.msk [tilespmem:v0+s30+$0x0 ss:$0x1], $0xffff;
	v39 =	vmul.f32 v39, v13;
	v23 =	vmul.f32 v40, v13;
	v21 =	vadd.f32 v37, v21  }
0xa0: {  	v50 =	vld.idx.msk [tilespmem:v3+s4+$0x0], $0xffff;
	v19 =	vadd.f32 v26, v19;
	v10 =	vmul.f32 v10, v11;
	v8 =	vmul.f32 v8, v15  }
0xa1: {  	v3 =	vld.idx.msk [tilespmem:v3+s16+$0x0], $0xffff;
	v20 =	vadd.f32 v29, v20;
	v41 =	vmul.f32 v41, v13;
	v63 =	vmul.f32 v34, v13  }
0xa2: {  	v16 =	vadd.f32 v16, v18;
	v59 =	vmul.f32 v42, v17;
	v61 =	vld.idx.msk [tilespmem:v43+s17+$0x0], $0xffff;
	v28 =	vmul.f32 v54, v17  }
0xa3: {  	v19 =	vadd.f32 v31, v19;
	v62 =	vmul.f32 v55, v17;
	v37 =	vld.idx.msk [tilespmem:v43+s4+$0x0], $0xffff;
	v42 =	vmul.f32 v24, v13  }
0xa4: {  	v20 =	vadd.f32 v33, v20;
	v38 =	vld.idx.msk [tilespmem:v43+s16+$0x0], $0xffff;
	v43 =	vmul.f32 v58, v17;
	v4 =	vmul.f32 v14, v4  }
0xa5: {  	v52 =	vld.idx.msk [tilespmem:v2+s4+$0x0], $0xffff;
	v21 =	vadd.f32 v35, v21;
	v5 =	vmul.f32 v5, v6;
	v53 =	vmul.f32 $9.999989860e-01, v44  }
0xa6: {  	v55 =	vmul.f32 v56, v17;
	v19 =	vadd.f32 v39, v19;
	v20 =	vadd.f32 v63, v20  }
0xa7: {  	v39 =	vmul.f32 v60, v17;
	v21 =	vadd.f32 v28, v21;
	v4 =	vadd.f32 v4, v16  }
0xa8: {  	v58 =	vmul.f32 v50, v15;
	v5 =	vadd.f32 v5, v7;
	v54 =	vadd.f32 v42, v27  }
0xa9: {  	v46 =	vld.idx.msk [tilespmem:v57+s16+$0x0], $0xffff;
	v3 =	vmul.f32 v3, v15;
	v56 =	vsub.f32 $1.000000000e+00, v53;
	v20 =	vadd.f32 v39, v20  }
0xaa: {  	v47 =	vld.idx.msk [tilespmem:v57+s4+$0x0], $0xffff;
	v60 =	vmul.f32 v52, v11;
	v4 =	vadd.f32 v23, v4;
	v5 =	vadd.f32 v12, v5  }
0xab: {  	v9 =	vld.idx.msk [tilespmem:v57+s17+$0x0], $0xffff;
	v19 =	vadd.f32 v62, v19;
	v45 =	vmul.f32 v61, v15;
	v8 =	vadd.f32 v8, v20  }
0xac: {  	v2 =	vld.idx.msk [tilespmem:v2+s16+$0x0], $0xffff;
	v48 =	vmul.f32 v37, v15;
	v4 =	vadd.f32 v55, v4;
	v5 =	vadd.f32 v41, v5  }
0xad: {  	v51 =	vmul.f32 v38, v15;
	v8 =	vadd.f32 v10, v8;
	v10 =	vadd.f32 v59, v54  }
0xae: {  	v57 =	vmul.f32 v46, v11;
	v49 =	vadd.f32 v45, v19;
	v4 =	vadd.f32 v58, v4  }
0xaf: {  	v59 =	vmul.f32 v47, v11;
	v5 =	vadd.f32 v43, v5;
	v6 =	vadd.f32 v48, v10  }
0xb0: {  	v9 =	vmul.f32 v9, v11;
	v61 =	vadd.f32 v51, v21;
	v4 =	vadd.f32 v60, v4  }
0xb1: {  	v2 =	vmul.f32 v2, v11;
	v3 =	vadd.f32 v3, v5;
	v6 =	vadd.f32 v59, v6  }
0xb2: {  	v62 =	vadd.f32 v57, v61;
	v9 =	vadd.f32 v9, v49  }
0xb3: {  	s28 =	sadd.s32 $0x1, s28;
	v4 =	vmul.f32 v4, v53;
	v2 =	vadd.f32 v2, v3;
	v6 =	vmul.f32 v6, v56  }
0xb4: {  	p0 =	sne.s32 s28, $0x8;
	v63 =	vmul.f32 v9, v56;
	v3 =	vmul.f32 v8, v53  }
.Ltmp1:
0xb5: {  	v5 =	vmul.f32 v62, v56;
	v2 =	vmul.f32 v2, v53;
	v4 =	vadd.f32 v4, v6;
	(pc) =	sbr.rel @p0 .LBB2_3-.Ltmp1, $4  }
0xb6: {  	v3 =	vadd.f32 v3, v63  }
0xb7: {  	v2 =	vadd.f32 v2, v5;
	[tilespmem:v1+s30+$0x0 ss:$0x1] =	vst.idx.msk $0xffff, v4  }
0xb8: {  	[tilespmem:v1+s31+$0x0 ss:$0x1] =	vst.idx.msk $0xffff, v3  }
0xb9: {  	[tilespmem:v1+s29+$0x0 ss:$0x1] =	vst.idx.msk $0xffff, v2  }
0xba: {  	p0 =	sne.s32 s21, $0x20  }
.Ltmp2:
0xbb: {  	s0 =	sshll.u32 s23, $0xC;
	(pc) =	sbr.rel @p0 .LBB2_2-.Ltmp2, $4  }
0xbc: {  	s0 =	sadd.s32 s11, s0  }
0xbd: {  	s0 =	sshrl.u32 s0, $0x3  }
0xbe: {  	s1 =	sadd.s32 $0x3, s22;
	s0 =	sadd.s32 s3, s0  }
0xbf: {  	[hbm4b:s0+s13] =	stream.strided.scatter [tilespmem:s24], [sflag:s1], $0x3000, s14, s13, $0x38;
	[tilespmem:$0x15380] =	vst v63  }
0xc0: {  	_ =	swait.ge [sflag:s8], $0x4000  }
0xc1: {  	[sflag:s8] =	ssyncset.done $0x0  }
0xc2: {  	[sflag:s8] =	ssyncadd.s32 $0xFFFFC000  }
0xc3: {  	_ =	swait.ge [sflag:s18], $0x3000  }
0xc4: {  	[sflag:s18] =	ssyncset.done $0x0  }
0xc5: {  	[sflag:s18] =	ssyncadd.s32 $0xFFFFD000  }
0xc6: {  	_ =	swait.ge [sflag:s19], $0x3000  }
0xc7: {  	s20 =	sadd.s32 $0x1, s20;
	s0 =	rddreg [dreg:$0x7]  }
0xc8: {  	p0 =	sne.s32 s20, s0  }
.Ltmp3:
0xc9: {  	_ = 	snop;
	(pc) =	sbr.rel @p0 .LBB2_1-.Ltmp3, $3  }
0xca: {  	_ =	sdelay $0x1  }
0xcb: {  	[sflag:s19] =	ssyncset.done $0x0  }
0xcc: {  	[sflag:s19] =	ssyncadd.s32 $0xFFFFD000  }
0xcd: {  	_ =	sfence.sel $0x180000  }
0xce: {  	[bflag:$0x0] =	sbarrier.arrive $0xFFFF  }
0xcf: {  	_ =	strace $0x90000047  }
0xd0: {  	s0 =	stileid.u32;
	[bflag:$0x2] =	sbarrier.arrive $0xFFFF  }
0xd1: {  	p0 =	sne.s32 s0, $0x0;
	s0 =	rddreg [dreg:$0x3]  }
0xd2: {  	s0 =	sadd.s32 @!p0 $0x100000, s0  }
0xd3: {  	[sflag:s0] =	ssyncadd.tile.s32 @!p0 $0x1;
	_ =	shalt  }
.Lfunc_end2:
_tile_overlayer_lowered:
.L_overlay_start_2:
0xd4: {  	(tag) =	ssettag $0x2  }
0xd5: {  	s0 =	rddreg [dreg:$0x0];
	s2 =	stileid.u32  }
0xd6: {  	s1 =	rddreg [dreg:$0x1];
	p0 =	sne.s32 s2, $0x0  }
0xd7: {  	s3 =	rddreg [dreg:$0x2];
	[bflag:$0x3] =	sbarrier.arrive $0xFFFF;
	s2 =	simm.s32 @!p0 $0x1C05  }
0xd8: {  	[timem:s3], [sflag:s2] =	dma.local @!p0 [hbm:s0], s1  }
0xd9: {  	s0 =	simm.s32 @!p0 $0x5  }
0xda: {  	_ =	swait.ge @!p0 [sflag:s0], s1  }
0xdb: {  	s1 =	ssub.s32 @!p0 $0x0, s1;
	[sflag:s0] =	ssyncset.done @!p0 $0x0  }
0xdc: {  	[sflag:s0] =	ssyncadd.s32 @!p0 s1  }
0xdd: {  	[bflag:$0x3] =	sbarrier.arrive $0xFFFF  }
0xde: {  	_ =	shalt  }

</sc_bundles>
